<compile_context>
chip_gen: v7x
topology: tpu7x:2x2x1
jax: 0.10.2.dev20260603
libtpu: 0.0.44.dev20260713+nightly
codegen_flags: <defaults>
</compile_context>

<pallas_src>
import numpy as np
import jax
import jax.numpy as jnp
from jax import lax
from jax.experimental import pallas as pl
from jax.experimental.pallas import tpu as pltpu
from jax.experimental.pallas import tpu_sc as plsc

VOCAB = 1000000
D = 64
SEQ = 200
BATCH = 4096
NC = 2
NS = 16
NW = NC * NS
ROWS_PER_W = BATCH // NW
SPLIT_A = 120
SPLIT_B = 80
NBUF_IN = 4
NBUF_OUT = 2
SCALE = 8.0


def _pos_encoding(length, depth):
    half = depth // 2
    positions = np.arange(length)[:, np.newaxis]
    depths = np.arange(half)[np.newaxis, :] / half
    angle_rates = 1 / 10000 ** depths
    angle_rads = positions * angle_rates
    pe = np.concatenate([np.sin(angle_rads), np.cos(angle_rads)], axis=-1)
    return pe.astype(np.float32)


def _sc_kernel(table, x, pos_h, out, idxa, idxb, bin_, bout, pos_v,
               gsema, gsemb, ssem):
    cid = lax.axis_index("c")
    sid = lax.axis_index("s")
    wid = sid * NC + cid
    r0 = wid * ROWS_PER_W

    pltpu.sync_copy(pos_h, pos_v)
    pltpu.sync_copy(x.at[pl.ds(r0, ROWS_PER_W), pl.ds(0, SPLIT_A)], idxa)
    pltpu.sync_copy(x.at[pl.ds(r0, ROWS_PER_W), pl.ds(SPLIT_A, SPLIT_B)],
                    idxb)

    def gather_a(g, b):
        return pltpu.make_async_copy(
            table.at[idxa.at[g]], bin_.at[b, pl.ds(0, SPLIT_A)], gsema.at[b])

    def gather_b(g, b):
        return pltpu.make_async_copy(
            table.at[idxb.at[g]], bin_.at[b, pl.ds(SPLIT_A, SPLIT_B)],
            gsemb.at[b])

    def scatter(g, ob):
        return pltpu.make_async_copy(
            bout.at[ob], out.at[pl.ds((r0 + g) * SEQ, SEQ)], ssem.at[ob])

    for b in range(NBUF_IN):
        gather_a(b, b).start()
        gather_b(b, b).start()

    def outer(k, carry):
        g0 = k * NBUF_IN
        for b in range(NBUF_IN):
            g = g0 + b
            ob = b % NBUF_OUT
            gather_a(g, b).wait()
            gather_b(g, b).wait()

            @pl.when(g >= NBUF_OUT)
            def _():
                scatter(g - NBUF_OUT, ob).wait()

            def row(i, c):
                for d in range(D // 16):
                    s = pl.ds(d * 16, 16)
                    bout[ob, i, s] = bin_[b, i, s] * SCALE + pos_v[i, s]
                return c

            lax.fori_loop(0, SEQ, row, 0)
            scatter(g, ob).start()

            @pl.when(g + NBUF_IN < ROWS_PER_W)
            def _():
                gather_a(g + NBUF_IN, b).start()
                gather_b(g + NBUF_IN, b).start()
        return carry

    lax.fori_loop(0, ROWS_PER_W // NBUF_IN, outer, 0)

    for t in range(NBUF_OUT):
        g = ROWS_PER_W - NBUF_OUT + t
        scatter(g, g % NBUF_OUT).wait()


def kernel(x, embedding_table):
    x = x.astype(jnp.int32)
    pos = jnp.asarray(_pos_encoding(2048, D)[:SEQ])

    mesh = plsc.VectorSubcoreMesh(
        core_axis_name="c", subcore_axis_name="s",
        num_cores=NC, num_subcores=NS)

    out = pl.kernel(
        _sc_kernel,
        out_type=jax.ShapeDtypeStruct((BATCH * SEQ, D), jnp.float32),
        mesh=mesh,
        compiler_params=pltpu.CompilerParams(use_tc_tiling_on_sc=False),
        scratch_types=[
            pltpu.VMEM((ROWS_PER_W, SPLIT_A), jnp.int32),
            pltpu.VMEM((ROWS_PER_W, SPLIT_B), jnp.int32),
            pltpu.VMEM((NBUF_IN, SEQ, D), jnp.float32),
            pltpu.VMEM((NBUF_OUT, SEQ, D), jnp.float32),
            pltpu.VMEM((SEQ, D), jnp.float32),
            pltpu.SemaphoreType.DMA((NBUF_IN,)),
            pltpu.SemaphoreType.DMA((NBUF_IN,)),
            pltpu.SemaphoreType.DMA((NBUF_OUT,)),
        ],
    )(embedding_table, x, pos)

    return out.reshape(BATCH, SEQ, D)

# --- scband reference (transcript-rebuilt; emitter-appended) ---
"""Pipeline reference for scband-positional-embedding-24910810316957 (READ-ONLY COPY).

The authoritative reference and input builder live on the scoring server;
editing this copy changes nothing except your own understanding.
"""

import jax, jax.numpy as jnp
import numpy as np

VOCAB_SIZE = 1000000
D_MODEL = 64
POS_LENGTH = 2048


def _positional_encoding(length, depth):
    depth = depth / 2
    positions = np.arange(length)[:, np.newaxis]
    depths = np.arange(depth)[np.newaxis, :] / depth
    angle_rates = 1 / 10000 ** depths
    angle_rads = positions * angle_rates
    pos_encoding = np.concatenate([np.sin(angle_rads), np.cos(angle_rads)], axis=-1)
    return jnp.asarray(pos_encoding, dtype=jnp.float32)


def setup_inputs(seed: int = 0) -> dict:
    key = jax.random.key(seed)
    k_idx, k_emb = jax.random.split(key)
    x = jax.random.randint(k_idx, (4096, 200), 0, VOCAB_SIZE, dtype=jnp.int64 if jax.config.jax_enable_x64 else jnp.int32)
    # Keras Embedding default initializer is uniform(-0.05, 0.05)
    embedding_table = jax.random.uniform(k_emb, (VOCAB_SIZE, D_MODEL), dtype=jnp.float32, minval=-0.05, maxval=0.05)
    return {"x": x, "embedding_table": embedding_table}


def reference(x, embedding_table):
    pos_encoding = _positional_encoding(POS_LENGTH, D_MODEL)
    length = x.shape[1]
    emb = jnp.take(embedding_table, x, axis=0)  # [B, L, D]
    emb = emb * jnp.sqrt(jnp.asarray(D_MODEL, dtype=jnp.float32))
    out = emb + pos_encoding[jnp.newaxis, :length, :]
    return out

if __name__ == "__main__":
    import jax
    _d = setup_inputs()
    print(jax.jit(kernel)(*tuple(_d.values())))

</pallas_src>

<mosaic_0001>
#map = affine_map<(d0, d1) -> (0, 0)>
module attributes {stable_mosaic.version = 14 : i64} {
  func.func @_sc_kernel(%arg0: i32, %arg1: i32, %arg2: memref<1000000x64xf32, #tpu.memory_space<hbm>>, %arg3: memref<4096x200xi32, #tpu.memory_space<hbm>>, %arg4: memref<200x64xf32, #tpu.memory_space<hbm>>, %arg5: memref<819200x64xf32, #tpu.memory_space<hbm>>, %arg6: memref<128x120xi32, #tpu.memory_space<vmem>>, %arg7: memref<128x80xi32, #tpu.memory_space<vmem>>, %arg8: memref<4x200x64xf32, #tpu.memory_space<vmem>>, %arg9: memref<2x200x64xf32, #tpu.memory_space<vmem>>, %arg10: memref<200x64xf32, #tpu.memory_space<vmem>>, %arg11: memref<4x!tpu.dma_semaphore, #tpu.memory_space<semaphore_mem>>, %arg12: memref<4x!tpu.dma_semaphore, #tpu.memory_space<semaphore_mem>>, %arg13: memref<2x!tpu.dma_semaphore, #tpu.memory_space<semaphore_mem>>) attributes {dimension_semantics = [#tpu.dimension_semantics<core_parallel>, #tpu.dimension_semantics<subcore_parallel>], iteration_bounds = array<i64: 2, 16>, scalar_prefetch = 0 : i64, scratch_operands = 8 : i64, tpu.core_type = #tpu.core_type<sc_vector_subcore>, window_params = [{transform_indices = #map}, {transform_indices = #map}, {transform_indices = #map}, {transform_indices = #map}]} {
    %mul3A = arith.constant 2 : i32
    %mul3A_0 = arith.muli %arg1, %mul3A : i32
    %add3A = arith.addi %mul3A_0, %arg0 : i32
    %mul3A_1 = arith.constant 128 : i32
    %mul3A_2 = arith.muli %add3A, %mul3A_1 : i32
    "tpu.region"() ({
      %run_scoped3A = tpu.sem_alloc : memref<!tpu.dma_semaphore, #tpu.memory_space<semaphore_mem>>
      tpu.enqueue_dma source(%arg4 : memref<200x64xf32, #tpu.memory_space<hbm>>) target(%arg10 : memref<200x64xf32, #tpu.memory_space<vmem>>) target_semaphore(%run_scoped3A : memref<!tpu.dma_semaphore, #tpu.memory_space<semaphore_mem>>)
      tpu.wait_dma2 semaphore(%run_scoped3A : memref<!tpu.dma_semaphore, #tpu.memory_space<semaphore_mem>>) src(%arg4 : memref<200x64xf32, #tpu.memory_space<hbm>>) dst(%arg10 : memref<200x64xf32, #tpu.memory_space<vmem>>)
      tpu.yield
    }) : () -> ()
    "tpu.region"() ({
      %run_scoped3A = tpu.sem_alloc : memref<!tpu.dma_semaphore, #tpu.memory_space<semaphore_mem>>
      %dma_start3A_166 = arith.constant 0 : i32
      %dma_start3A_167 = tpu.memref_slice %arg3[%mul3A_2, %dma_start3A_166] : memref<4096x200xi32, #tpu.memory_space<hbm>> -> memref<128x120xi32, #tpu.memory_space<hbm>>
      %dma_start3A_168 = arith.constant 0 : i32
      %dma_start3A_169 = tpu.memref_slice %arg3[%mul3A_2, %dma_start3A_168] : memref<4096x200xi32, #tpu.memory_space<hbm>> -> memref<128x120xi32, #tpu.memory_space<hbm>>
      tpu.enqueue_dma source(%dma_start3A_169 : memref<128x120xi32, #tpu.memory_space<hbm>>) target(%arg6 : memref<128x120xi32, #tpu.memory_space<vmem>>) target_semaphore(%run_scoped3A : memref<!tpu.dma_semaphore, #tpu.memory_space<semaphore_mem>>)
      %dma_wait3A_170 = arith.constant 0 : i32
      %dma_wait3A_171 = tpu.memref_slice %arg3[%mul3A_2, %dma_wait3A_170] : memref<4096x200xi32, #tpu.memory_space<hbm>> -> memref<128x120xi32, #tpu.memory_space<hbm>>
      %dma_wait3A_172 = arith.constant 0 : i32
      %dma_wait3A_173 = tpu.memref_slice %arg3[%mul3A_2, %dma_wait3A_172] : memref<4096x200xi32, #tpu.memory_space<hbm>> -> memref<128x120xi32, #tpu.memory_space<hbm>>
      tpu.wait_dma2 semaphore(%run_scoped3A : memref<!tpu.dma_semaphore, #tpu.memory_space<semaphore_mem>>) src(%dma_wait3A_173 : memref<128x120xi32, #tpu.memory_space<hbm>>) dst(%arg6 : memref<128x120xi32, #tpu.memory_space<vmem>>)
      tpu.yield
    }) : () -> ()
    "tpu.region"() ({
      %run_scoped3A = tpu.sem_alloc : memref<!tpu.dma_semaphore, #tpu.memory_space<semaphore_mem>>
      %dma_start3A_166 = arith.constant 120 : i32
      %dma_start3A_167 = tpu.memref_slice %arg3[%mul3A_2, %dma_start3A_166] : memref<4096x200xi32, #tpu.memory_space<hbm>> -> memref<128x80xi32, #tpu.memory_space<hbm>>
      %dma_start3A_168 = arith.constant 120 : i32
      %dma_start3A_169 = tpu.memref_slice %arg3[%mul3A_2, %dma_start3A_168] : memref<4096x200xi32, #tpu.memory_space<hbm>> -> memref<128x80xi32, #tpu.memory_space<hbm>>
      tpu.enqueue_dma source(%dma_start3A_169 : memref<128x80xi32, #tpu.memory_space<hbm>>) target(%arg7 : memref<128x80xi32, #tpu.memory_space<vmem>>) target_semaphore(%run_scoped3A : memref<!tpu.dma_semaphore, #tpu.memory_space<semaphore_mem>>)
      %dma_wait3A_170 = arith.constant 120 : i32
      %dma_wait3A_171 = tpu.memref_slice %arg3[%mul3A_2, %dma_wait3A_170] : memref<4096x200xi32, #tpu.memory_space<hbm>> -> memref<128x80xi32, #tpu.memory_space<hbm>>
      %dma_wait3A_172 = arith.constant 120 : i32
      %dma_wait3A_173 = tpu.memref_slice %arg3[%mul3A_2, %dma_wait3A_172] : memref<4096x200xi32, #tpu.memory_space<hbm>> -> memref<128x80xi32, #tpu.memory_space<hbm>>
      tpu.wait_dma2 semaphore(%run_scoped3A : memref<!tpu.dma_semaphore, #tpu.memory_space<semaphore_mem>>) src(%dma_wait3A_173 : memref<128x80xi32, #tpu.memory_space<hbm>>) dst(%arg7 : memref<128x80xi32, #tpu.memory_space<vmem>>)
      tpu.yield
    }) : () -> ()
    %dma_start3A = arith.constant 0 : i32
    %dma_start3A_3 = arith.constant 0 : i32
    %dma_start3A_4 = arith.constant 0 : i32
    %dma_start3A_5 = arith.constant 0 : i32
    %dma_start3A_6 = arith.constant 0 : i32
    %dma_start3A_7 = tpu.memref_slice %arg8[%dma_start3A_3, %dma_start3A_5, %dma_start3A_6] : memref<4x200x64xf32, #tpu.memory_space<vmem>> -> memref<1x120x64xf32, #tpu.memory_space<vmem>>
    %dma_start3A_8 = tpu.memref_squeeze %dma_start3A_7 : memref<1x120x64xf32, #tpu.memory_space<vmem>> -> memref<120x64xf32, #tpu.memory_space<vmem>>
    %dma_start3A_9 = arith.constant 0 : i32
    %dma_start3A_10 = tpu.memref_slice %arg6[%dma_start3A, %dma_start3A_9] : memref<128x120xi32, #tpu.memory_space<vmem>> -> memref<1x120xi32, #tpu.memory_space<vmem>>
    %dma_start3A_11 = tpu.memref_squeeze %dma_start3A_10 : memref<1x120xi32, #tpu.memory_space<vmem>> -> memref<120xi32, #tpu.memory_space<vmem>>
    %dma_start3A_12 = arith.constant 0 : i32
    %dma_start3A_13 = arith.constant 0 : i32
    %dma_start3A_14 = tpu.memref_slice %arg2[%dma_start3A_12, %dma_start3A_13] : memref<1000000x64xf32, #tpu.memory_space<hbm>> -> memref<1000000x64xf32, #tpu.memory_space<hbm>>
    %dma_start3A_15 = tpu.memref_slice %arg11[%dma_start3A_4] : memref<4x!tpu.dma_semaphore, #tpu.memory_space<semaphore_mem>> -> memref<1x!tpu.dma_semaphore, #tpu.memory_space<semaphore_mem>>
    %dma_start3A_16 = tpu.memref_squeeze %dma_start3A_15 : memref<1x!tpu.dma_semaphore, #tpu.memory_space<semaphore_mem>> -> memref<!tpu.dma_semaphore, #tpu.memory_space<semaphore_mem>>
    tpu.enqueue_indirect_dma source(%dma_start3A_14 : memref<1000000x64xf32, #tpu.memory_space<hbm>>) target(%dma_start3A_8 : memref<120x64xf32, #tpu.memory_space<vmem>>) offsets(%dma_start3A_11 : memref<120xi32, #tpu.memory_space<vmem>>) semaphore(%dma_start3A_16 : memref<!tpu.dma_semaphore, #tpu.memory_space<semaphore_mem>>)
    %dma_start3A_17 = arith.constant 0 : i32
    %dma_start3A_18 = arith.constant 0 : i32
    %dma_start3A_19 = arith.constant 0 : i32
    %dma_start3A_20 = arith.constant 120 : i32
    %dma_start3A_21 = arith.constant 0 : i32
    %dma_start3A_22 = tpu.memref_slice %arg8[%dma_start3A_18, %dma_start3A_20, %dma_start3A_21] : memref<4x200x64xf32, #tpu.memory_space<vmem>> -> memref<1x80x64xf32, #tpu.memory_space<vmem>>
    %dma_start3A_23 = tpu.memref_squeeze %dma_start3A_22 : memref<1x80x64xf32, #tpu.memory_space<vmem>> -> memref<80x64xf32, #tpu.memory_space<vmem>>
    %dma_start3A_24 = arith.constant 0 : i32
    %dma_start3A_25 = tpu.memref_slice %arg7[%dma_start3A_17, %dma_start3A_24] : memref<128x80xi32, #tpu.memory_space<vmem>> -> memref<1x80xi32, #tpu.memory_space<vmem>>
    %dma_start3A_26 = tpu.memref_squeeze %dma_start3A_25 : memref<1x80xi32, #tpu.memory_space<vmem>> -> memref<80xi32, #tpu.memory_space<vmem>>
    %dma_start3A_27 = arith.constant 0 : i32
    %dma_start3A_28 = arith.constant 0 : i32
    %dma_start3A_29 = tpu.memref_slice %arg2[%dma_start3A_27, %dma_start3A_28] : memref<1000000x64xf32, #tpu.memory_space<hbm>> -> memref<1000000x64xf32, #tpu.memory_space<hbm>>
    %dma_start3A_30 = tpu.memref_slice %arg12[%dma_start3A_19] : memref<4x!tpu.dma_semaphore, #tpu.memory_space<semaphore_mem>> -> memref<1x!tpu.dma_semaphore, #tpu.memory_space<semaphore_mem>>
    %dma_start3A_31 = tpu.memref_squeeze %dma_start3A_30 : memref<1x!tpu.dma_semaphore, #tpu.memory_space<semaphore_mem>> -> memref<!tpu.dma_semaphore, #tpu.memory_space<semaphore_mem>>
    tpu.enqueue_indirect_dma source(%dma_start3A_29 : memref<1000000x64xf32, #tpu.memory_space<hbm>>) target(%dma_start3A_23 : memref<80x64xf32, #tpu.memory_space<vmem>>) offsets(%dma_start3A_26 : memref<80xi32, #tpu.memory_space<vmem>>) semaphore(%dma_start3A_31 : memref<!tpu.dma_semaphore, #tpu.memory_space<semaphore_mem>>)
    %dma_start3A_32 = arith.constant 1 : i32
    %dma_start3A_33 = arith.constant 1 : i32
    %dma_start3A_34 = arith.constant 1 : i32
    %dma_start3A_35 = arith.constant 0 : i32
    %dma_start3A_36 = arith.constant 0 : i32
    %dma_start3A_37 = tpu.memref_slice %arg8[%dma_start3A_33, %dma_start3A_35, %dma_start3A_36] : memref<4x200x64xf32, #tpu.memory_space<vmem>> -> memref<1x120x64xf32, #tpu.memory_space<vmem>>
    %dma_start3A_38 = tpu.memref_squeeze %dma_start3A_37 : memref<1x120x64xf32, #tpu.memory_space<vmem>> -> memref<120x64xf32, #tpu.memory_space<vmem>>
    %dma_start3A_39 = arith.constant 0 : i32
    %dma_start3A_40 = tpu.memref_slice %arg6[%dma_start3A_32, %dma_start3A_39] : memref<128x120xi32, #tpu.memory_space<vmem>> -> memref<1x120xi32, #tpu.memory_space<vmem>>
    %dma_start3A_41 = tpu.memref_squeeze %dma_start3A_40 : memref<1x120xi32, #tpu.memory_space<vmem>> -> memref<120xi32, #tpu.memory_space<vmem>>
    %dma_start3A_42 = arith.constant 0 : i32
    %dma_start3A_43 = arith.constant 0 : i32
    %dma_start3A_44 = tpu.memref_slice %arg2[%dma_start3A_42, %dma_start3A_43] : memref<1000000x64xf32, #tpu.memory_space<hbm>> -> memref<1000000x64xf32, #tpu.memory_space<hbm>>
    %dma_start3A_45 = tpu.memref_slice %arg11[%dma_start3A_34] : memref<4x!tpu.dma_semaphore, #tpu.memory_space<semaphore_mem>> -> memref<1x!tpu.dma_semaphore, #tpu.memory_space<semaphore_mem>>
    %dma_start3A_46 = tpu.memref_squeeze %dma_start3A_45 : memref<1x!tpu.dma_semaphore, #tpu.memory_space<semaphore_mem>> -> memref<!tpu.dma_semaphore, #tpu.memory_space<semaphore_mem>>
    tpu.enqueue_indirect_dma source(%dma_start3A_44 : memref<1000000x64xf32, #tpu.memory_space<hbm>>) target(%dma_start3A_38 : memref<120x64xf32, #tpu.memory_space<vmem>>) offsets(%dma_start3A_41 : memref<120xi32, #tpu.memory_space<vmem>>) semaphore(%dma_start3A_46 : memref<!tpu.dma_semaphore, #tpu.memory_space<semaphore_mem>>)
    %dma_start3A_47 = arith.constant 1 : i32
    %dma_start3A_48 = arith.constant 1 : i32
    %dma_start3A_49 = arith.constant 1 : i32
    %dma_start3A_50 = arith.constant 120 : i32
    %dma_start3A_51 = arith.constant 0 : i32
    %dma_start3A_52 = tpu.memref_slice %arg8[%dma_start3A_48, %dma_start3A_50, %dma_start3A_51] : memref<4x200x64xf32, #tpu.memory_space<vmem>> -> memref<1x80x64xf32, #tpu.memory_space<vmem>>
    %dma_start3A_53 = tpu.memref_squeeze %dma_start3A_52 : memref<1x80x64xf32, #tpu.memory_space<vmem>> -> memref<80x64xf32, #tpu.memory_space<vmem>>
    %dma_start3A_54 = arith.constant 0 : i32
    %dma_start3A_55 = tpu.memref_slice %arg7[%dma_start3A_47, %dma_start3A_54] : memref<128x80xi32, #tpu.memory_space<vmem>> -> memref<1x80xi32, #tpu.memory_space<vmem>>
    %dma_start3A_56 = tpu.memref_squeeze %dma_start3A_55 : memref<1x80xi32, #tpu.memory_space<vmem>> -> memref<80xi32, #tpu.memory_space<vmem>>
    %dma_start3A_57 = arith.constant 0 : i32
    %dma_start3A_58 = arith.constant 0 : i32
    %dma_start3A_59 = tpu.memref_slice %arg2[%dma_start3A_57, %dma_start3A_58] : memref<1000000x64xf32, #tpu.memory_space<hbm>> -> memref<1000000x64xf32, #tpu.memory_space<hbm>>
    %dma_start3A_60 = tpu.memref_slice %arg12[%dma_start3A_49] : memref<4x!tpu.dma_semaphore, #tpu.memory_space<semaphore_mem>> -> memref<1x!tpu.dma_semaphore, #tpu.memory_space<semaphore_mem>>
    %dma_start3A_61 = tpu.memref_squeeze %dma_start3A_60 : memref<1x!tpu.dma_semaphore, #tpu.memory_space<semaphore_mem>> -> memref<!tpu.dma_semaphore, #tpu.memory_space<semaphore_mem>>
    tpu.enqueue_indirect_dma source(%dma_start3A_59 : memref<1000000x64xf32, #tpu.memory_space<hbm>>) target(%dma_start3A_53 : memref<80x64xf32, #tpu.memory_space<vmem>>) offsets(%dma_start3A_56 : memref<80xi32, #tpu.memory_space<vmem>>) semaphore(%dma_start3A_61 : memref<!tpu.dma_semaphore, #tpu.memory_space<semaphore_mem>>)
    %dma_start3A_62 = arith.constant 2 : i32
    %dma_start3A_63 = arith.constant 2 : i32
    %dma_start3A_64 = arith.constant 2 : i32
    %dma_start3A_65 = arith.constant 0 : i32
    %dma_start3A_66 = arith.constant 0 : i32
    %dma_start3A_67 = tpu.memref_slice %arg8[%dma_start3A_63, %dma_start3A_65, %dma_start3A_66] : memref<4x200x64xf32, #tpu.memory_space<vmem>> -> memref<1x120x64xf32, #tpu.memory_space<vmem>>
    %dma_start3A_68 = tpu.memref_squeeze %dma_start3A_67 : memref<1x120x64xf32, #tpu.memory_space<vmem>> -> memref<120x64xf32, #tpu.memory_space<vmem>>
    %dma_start3A_69 = arith.constant 0 : i32
    %dma_start3A_70 = tpu.memref_slice %arg6[%dma_start3A_62, %dma_start3A_69] : memref<128x120xi32, #tpu.memory_space<vmem>> -> memref<1x120xi32, #tpu.memory_space<vmem>>
    %dma_start3A_71 = tpu.memref_squeeze %dma_start3A_70 : memref<1x120xi32, #tpu.memory_space<vmem>> -> memref<120xi32, #tpu.memory_space<vmem>>
    %dma_start3A_72 = arith.constant 0 : i32
    %dma_start3A_73 = arith.constant 0 : i32
    %dma_start3A_74 = tpu.memref_slice %arg2[%dma_start3A_72, %dma_start3A_73] : memref<1000000x64xf32, #tpu.memory_space<hbm>> -> memref<1000000x64xf32, #tpu.memory_space<hbm>>
    %dma_start3A_75 = tpu.memref_slice %arg11[%dma_start3A_64] : memref<4x!tpu.dma_semaphore, #tpu.memory_space<semaphore_mem>> -> memref<1x!tpu.dma_semaphore, #tpu.memory_space<semaphore_mem>>
    %dma_start3A_76 = tpu.memref_squeeze %dma_start3A_75 : memref<1x!tpu.dma_semaphore, #tpu.memory_space<semaphore_mem>> -> memref<!tpu.dma_semaphore, #tpu.memory_space<semaphore_mem>>
    tpu.enqueue_indirect_dma source(%dma_start3A_74 : memref<1000000x64xf32, #tpu.memory_space<hbm>>) target(%dma_start3A_68 : memref<120x64xf32, #tpu.memory_space<vmem>>) offsets(%dma_start3A_71 : memref<120xi32, #tpu.memory_space<vmem>>) semaphore(%dma_start3A_76 : memref<!tpu.dma_semaphore, #tpu.memory_space<semaphore_mem>>)
    %dma_start3A_77 = arith.constant 2 : i32
    %dma_start3A_78 = arith.constant 2 : i32
    %dma_start3A_79 = arith.constant 2 : i32
    %dma_start3A_80 = arith.constant 120 : i32
    %dma_start3A_81 = arith.constant 0 : i32
    %dma_start3A_82 = tpu.memref_slice %arg8[%dma_start3A_78, %dma_start3A_80, %dma_start3A_81] : memref<4x200x64xf32, #tpu.memory_space<vmem>> -> memref<1x80x64xf32, #tpu.memory_space<vmem>>
    %dma_start3A_83 = tpu.memref_squeeze %dma_start3A_82 : memref<1x80x64xf32, #tpu.memory_space<vmem>> -> memref<80x64xf32, #tpu.memory_space<vmem>>
    %dma_start3A_84 = arith.constant 0 : i32
    %dma_start3A_85 = tpu.memref_slice %arg7[%dma_start3A_77, %dma_start3A_84] : memref<128x80xi32, #tpu.memory_space<vmem>> -> memref<1x80xi32, #tpu.memory_space<vmem>>
    %dma_start3A_86 = tpu.memref_squeeze %dma_start3A_85 : memref<1x80xi32, #tpu.memory_space<vmem>> -> memref<80xi32, #tpu.memory_space<vmem>>
    %dma_start3A_87 = arith.constant 0 : i32
    %dma_start3A_88 = arith.constant 0 : i32
    %dma_start3A_89 = tpu.memref_slice %arg2[%dma_start3A_87, %dma_start3A_88] : memref<1000000x64xf32, #tpu.memory_space<hbm>> -> memref<1000000x64xf32, #tpu.memory_space<hbm>>
    %dma_start3A_90 = tpu.memref_slice %arg12[%dma_start3A_79] : memref<4x!tpu.dma_semaphore, #tpu.memory_space<semaphore_mem>> -> memref<1x!tpu.dma_semaphore, #tpu.memory_space<semaphore_mem>>
    %dma_start3A_91 = tpu.memref_squeeze %dma_start3A_90 : memref<1x!tpu.dma_semaphore, #tpu.memory_space<semaphore_mem>> -> memref<!tpu.dma_semaphore, #tpu.memory_space<semaphore_mem>>
    tpu.enqueue_indirect_dma source(%dma_start3A_89 : memref<1000000x64xf32, #tpu.memory_space<hbm>>) target(%dma_start3A_83 : memref<80x64xf32, #tpu.memory_space<vmem>>) offsets(%dma_start3A_86 : memref<80xi32, #tpu.memory_space<vmem>>) semaphore(%dma_start3A_91 : memref<!tpu.dma_semaphore, #tpu.memory_space<semaphore_mem>>)
    %dma_start3A_92 = arith.constant 3 : i32
    %dma_start3A_93 = arith.constant 3 : i32
    %dma_start3A_94 = arith.constant 3 : i32
    %dma_start3A_95 = arith.constant 0 : i32
    %dma_start3A_96 = arith.constant 0 : i32
    %dma_start3A_97 = tpu.memref_slice %arg8[%dma_start3A_93, %dma_start3A_95, %dma_start3A_96] : memref<4x200x64xf32, #tpu.memory_space<vmem>> -> memref<1x120x64xf32, #tpu.memory_space<vmem>>
    %dma_start3A_98 = tpu.memref_squeeze %dma_start3A_97 : memref<1x120x64xf32, #tpu.memory_space<vmem>> -> memref<120x64xf32, #tpu.memory_space<vmem>>
    %dma_start3A_99 = arith.constant 0 : i32
    %dma_start3A_100 = tpu.memref_slice %arg6[%dma_start3A_92, %dma_start3A_99] : memref<128x120xi32, #tpu.memory_space<vmem>> -> memref<1x120xi32, #tpu.memory_space<vmem>>
    %dma_start3A_101 = tpu.memref_squeeze %dma_start3A_100 : memref<1x120xi32, #tpu.memory_space<vmem>> -> memref<120xi32, #tpu.memory_space<vmem>>
    %dma_start3A_102 = arith.constant 0 : i32
    %dma_start3A_103 = arith.constant 0 : i32
    %dma_start3A_104 = tpu.memref_slice %arg2[%dma_start3A_102, %dma_start3A_103] : memref<1000000x64xf32, #tpu.memory_space<hbm>> -> memref<1000000x64xf32, #tpu.memory_space<hbm>>
    %dma_start3A_105 = tpu.memref_slice %arg11[%dma_start3A_94] : memref<4x!tpu.dma_semaphore, #tpu.memory_space<semaphore_mem>> -> memref<1x!tpu.dma_semaphore, #tpu.memory_space<semaphore_mem>>
    %dma_start3A_106 = tpu.memref_squeeze %dma_start3A_105 : memref<1x!tpu.dma_semaphore, #tpu.memory_space<semaphore_mem>> -> memref<!tpu.dma_semaphore, #tpu.memory_space<semaphore_mem>>
    tpu.enqueue_indirect_dma source(%dma_start3A_104 : memref<1000000x64xf32, #tpu.memory_space<hbm>>) target(%dma_start3A_98 : memref<120x64xf32, #tpu.memory_space<vmem>>) offsets(%dma_start3A_101 : memref<120xi32, #tpu.memory_space<vmem>>) semaphore(%dma_start3A_106 : memref<!tpu.dma_semaphore, #tpu.memory_space<semaphore_mem>>)
    %dma_start3A_107 = arith.constant 3 : i32
    %dma_start3A_108 = arith.constant 3 : i32
    %dma_start3A_109 = arith.constant 3 : i32
    %dma_start3A_110 = arith.constant 120 : i32
    %dma_start3A_111 = arith.constant 0 : i32
    %dma_start3A_112 = tpu.memref_slice %arg8[%dma_start3A_108, %dma_start3A_110, %dma_start3A_111] : memref<4x200x64xf32, #tpu.memory_space<vmem>> -> memref<1x80x64xf32, #tpu.memory_space<vmem>>
    %dma_start3A_113 = tpu.memref_squeeze %dma_start3A_112 : memref<1x80x64xf32, #tpu.memory_space<vmem>> -> memref<80x64xf32, #tpu.memory_space<vmem>>
    %dma_start3A_114 = arith.constant 0 : i32
    %dma_start3A_115 = tpu.memref_slice %arg7[%dma_start3A_107, %dma_start3A_114] : memref<128x80xi32, #tpu.memory_space<vmem>> -> memref<1x80xi32, #tpu.memory_space<vmem>>
    %dma_start3A_116 = tpu.memref_squeeze %dma_start3A_115 : memref<1x80xi32, #tpu.memory_space<vmem>> -> memref<80xi32, #tpu.memory_space<vmem>>
    %dma_start3A_117 = arith.constant 0 : i32
    %dma_start3A_118 = arith.constant 0 : i32
    %dma_start3A_119 = tpu.memref_slice %arg2[%dma_start3A_117, %dma_start3A_118] : memref<1000000x64xf32, #tpu.memory_space<hbm>> -> memref<1000000x64xf32, #tpu.memory_space<hbm>>
    %dma_start3A_120 = tpu.memref_slice %arg12[%dma_start3A_109] : memref<4x!tpu.dma_semaphore, #tpu.memory_space<semaphore_mem>> -> memref<1x!tpu.dma_semaphore, #tpu.memory_space<semaphore_mem>>
    %dma_start3A_121 = tpu.memref_squeeze %dma_start3A_120 : memref<1x!tpu.dma_semaphore, #tpu.memory_space<semaphore_mem>> -> memref<!tpu.dma_semaphore, #tpu.memory_space<semaphore_mem>>
    tpu.enqueue_indirect_dma source(%dma_start3A_119 : memref<1000000x64xf32, #tpu.memory_space<hbm>>) target(%dma_start3A_113 : memref<80x64xf32, #tpu.memory_space<vmem>>) offsets(%dma_start3A_116 : memref<80xi32, #tpu.memory_space<vmem>>) semaphore(%dma_start3A_121 : memref<!tpu.dma_semaphore, #tpu.memory_space<semaphore_mem>>)
    %scan3A = arith.constant 0 : i32
    %scan3A_122 = arith.constant 0 : i32
    %scan3A_123 = arith.constant 32 : i32
    %scan3A_124 = arith.addi %scan3A_122, %scan3A_123 : i32
    %scan3A_125 = arith.constant 1 : i32
    scf.for %scan3A_166 = %scan3A_122 to %scan3A_124 step %scan3A_125  : i32 {
      %mul3A_167 = arith.constant 4 : i32
      %mul3A_168 = arith.muli %scan3A_166, %mul3A_167 : i32
      %add3A_169 = arith.constant 0 : i32
      %add3A_170 = arith.addi %mul3A_168, %add3A_169 : i32
      %dma_wait3A_171 = arith.constant 0 : i32
      %dma_wait3A_172 = arith.constant 0 : i32
      %dma_wait3A_173 = arith.constant 0 : i32
      %dma_wait3A_174 = arith.constant 0 : i32
      %dma_wait3A_175 = tpu.memref_slice %arg8[%dma_wait3A_171, %dma_wait3A_173, %dma_wait3A_174] : memref<4x200x64xf32, #tpu.memory_space<vmem>> -> memref<1x120x64xf32, #tpu.memory_space<vmem>>
      %dma_wait3A_176 = tpu.memref_squeeze %dma_wait3A_175 : memref<1x120x64xf32, #tpu.memory_space<vmem>> -> memref<120x64xf32, #tpu.memory_space<vmem>>
      %dma_wait3A_177 = arith.constant 0 : i32
      %dma_wait3A_178 = tpu.memref_slice %arg6[%add3A_170, %dma_wait3A_177] : memref<128x120xi32, #tpu.memory_space<vmem>> -> memref<1x120xi32, #tpu.memory_space<vmem>>
      %dma_wait3A_179 = tpu.memref_squeeze %dma_wait3A_178 : memref<1x120xi32, #tpu.memory_space<vmem>> -> memref<120xi32, #tpu.memory_space<vmem>>
      %dma_wait3A_180 = arith.constant 0 : i32
      %dma_wait3A_181 = arith.constant 0 : i32
      %dma_wait3A_182 = tpu.memref_slice %arg2[%dma_wait3A_180, %dma_wait3A_181] : memref<1000000x64xf32, #tpu.memory_space<hbm>> -> memref<1000000x64xf32, #tpu.memory_space<hbm>>
      %dma_wait3A_183 = tpu.memref_slice %arg11[%dma_wait3A_172] : memref<4x!tpu.dma_semaphore, #tpu.memory_space<semaphore_mem>> -> memref<1x!tpu.dma_semaphore, #tpu.memory_space<semaphore_mem>>
      %dma_wait3A_184 = tpu.memref_squeeze %dma_wait3A_183 : memref<1x!tpu.dma_semaphore, #tpu.memory_space<semaphore_mem>> -> memref<!tpu.dma_semaphore, #tpu.memory_space<semaphore_mem>>
      tpu.wait_indirect_dma semaphore(%dma_wait3A_184 : memref<!tpu.dma_semaphore, #tpu.memory_space<semaphore_mem>>) src(%dma_wait3A_182 : memref<1000000x64xf32, #tpu.memory_space<hbm>>) dst(%dma_wait3A_176 : memref<120x64xf32, #tpu.memory_space<vmem>>)
      %dma_wait3A_185 = arith.constant 0 : i32
      %dma_wait3A_186 = arith.constant 0 : i32
      %dma_wait3A_187 = arith.constant 120 : i32
      %dma_wait3A_188 = arith.constant 0 : i32
      %dma_wait3A_189 = tpu.memref_slice %arg8[%dma_wait3A_185, %dma_wait3A_187, %dma_wait3A_188] : memref<4x200x64xf32, #tpu.memory_space<vmem>> -> memref<1x80x64xf32, #tpu.memory_space<vmem>>
      %dma_wait3A_190 = tpu.memref_squeeze %dma_wait3A_189 : memref<1x80x64xf32, #tpu.memory_space<vmem>> -> memref<80x64xf32, #tpu.memory_space<vmem>>
      %dma_wait3A_191 = arith.constant 0 : i32
      %dma_wait3A_192 = tpu.memref_slice %arg7[%add3A_170, %dma_wait3A_191] : memref<128x80xi32, #tpu.memory_space<vmem>> -> memref<1x80xi32, #tpu.memory_space<vmem>>
      %dma_wait3A_193 = tpu.memref_squeeze %dma_wait3A_192 : memref<1x80xi32, #tpu.memory_space<vmem>> -> memref<80xi32, #tpu.memory_space<vmem>>
      %dma_wait3A_194 = arith.constant 0 : i32
      %dma_wait3A_195 = arith.constant 0 : i32
      %dma_wait3A_196 = tpu.memref_slice %arg2[%dma_wait3A_194, %dma_wait3A_195] : memref<1000000x64xf32, #tpu.memory_space<hbm>> -> memref<1000000x64xf32, #tpu.memory_space<hbm>>
      %dma_wait3A_197 = tpu.memref_slice %arg12[%dma_wait3A_186] : memref<4x!tpu.dma_semaphore, #tpu.memory_space<semaphore_mem>> -> memref<1x!tpu.dma_semaphore, #tpu.memory_space<semaphore_mem>>
      %dma_wait3A_198 = tpu.memref_squeeze %dma_wait3A_197 : memref<1x!tpu.dma_semaphore, #tpu.memory_space<semaphore_mem>> -> memref<!tpu.dma_semaphore, #tpu.memory_space<semaphore_mem>>
      tpu.wait_indirect_dma semaphore(%dma_wait3A_198 : memref<!tpu.dma_semaphore, #tpu.memory_space<semaphore_mem>>) src(%dma_wait3A_196 : memref<1000000x64xf32, #tpu.memory_space<hbm>>) dst(%dma_wait3A_190 : memref<80x64xf32, #tpu.memory_space<vmem>>)
      %ge3A = arith.constant 2 : i32
      %ge3A_199 = arith.cmpi sge, %add3A_170, %ge3A : i32
      %convert_element_type3A = arith.extui %ge3A_199 : i1 to i32
      %cond3A = arith.constant 0 : i32
      %cond3A_200 = arith.cmpi ne, %convert_element_type3A, %cond3A : i32
      scf.if %cond3A_200 {
        %sub3A = arith.constant 2 : i32
        %sub3A_433 = arith.subi %add3A_170, %sub3A : i32
        %add3A_434 = arith.addi %mul3A_2, %sub3A_433 : i32
        %mul3A_435 = arith.constant 200 : i32
        %mul3A_436 = arith.muli %add3A_434, %mul3A_435 : i32
        %dma_wait3A_437 = arith.constant 0 : i32
        %dma_wait3A_438 = arith.constant 0 : i32
        %dma_wait3A_439 = arith.constant 0 : i32
        %dma_wait3A_440 = arith.constant 0 : i32
        %dma_wait3A_441 = tpu.memref_slice %arg9[%dma_wait3A_437, %dma_wait3A_439, %dma_wait3A_440] : memref<2x200x64xf32, #tpu.memory_space<vmem>> -> memref<1x200x64xf32, #tpu.memory_space<vmem>>
        %dma_wait3A_442 = tpu.memref_squeeze %dma_wait3A_441 : memref<1x200x64xf32, #tpu.memory_space<vmem>> -> memref<200x64xf32, #tpu.memory_space<vmem>>
        %dma_wait3A_443 = arith.constant 0 : i32
        %dma_wait3A_444 = tpu.memref_slice %arg5[%mul3A_436, %dma_wait3A_443] : memref<819200x64xf32, #tpu.memory_space<hbm>> -> memref<200x64xf32, #tpu.memory_space<hbm>>
        %dma_wait3A_445 = tpu.memref_slice %arg13[%dma_wait3A_438] : memref<2x!tpu.dma_semaphore, #tpu.memory_space<semaphore_mem>> -> memref<1x!tpu.dma_semaphore, #tpu.memory_space<semaphore_mem>>
        %dma_wait3A_446 = tpu.memref_squeeze %dma_wait3A_445 : memref<1x!tpu.dma_semaphore, #tpu.memory_space<semaphore_mem>> -> memref<!tpu.dma_semaphore, #tpu.memory_space<semaphore_mem>>
        %dma_wait3A_447 = arith.constant 0 : i32
        %dma_wait3A_448 = tpu.memref_slice %arg5[%mul3A_436, %dma_wait3A_447] : memref<819200x64xf32, #tpu.memory_space<hbm>> -> memref<200x64xf32, #tpu.memory_space<hbm>>
        %dma_wait3A_449 = arith.constant 0 : i32
        %dma_wait3A_450 = arith.constant 0 : i32
        %dma_wait3A_451 = tpu.memref_slice %arg9[%dma_wait3A_437, %dma_wait3A_449, %dma_wait3A_450] : memref<2x200x64xf32, #tpu.memory_space<vmem>> -> memref<1x200x64xf32, #tpu.memory_space<vmem>>
        %dma_wait3A_452 = tpu.memref_squeeze %dma_wait3A_451 : memref<1x200x64xf32, #tpu.memory_space<vmem>> -> memref<200x64xf32, #tpu.memory_space<vmem>>
        tpu.wait_dma2 semaphore(%dma_wait3A_446 : memref<!tpu.dma_semaphore, #tpu.memory_space<semaphore_mem>>) src(%dma_wait3A_452 : memref<200x64xf32, #tpu.memory_space<vmem>>) dst(%dma_wait3A_448 : memref<200x64xf32, #tpu.memory_space<hbm>>)
      } else {
      }
      %scan3A_201 = arith.constant 0 : i32
      %scan3A_202 = arith.constant 0 : i32
      %scan3A_203 = arith.constant 200 : i32
      %scan3A_204 = arith.addi %scan3A_202, %scan3A_203 : i32
      %scan3A_205 = arith.constant 1 : i32
      scf.for %scan3A_433 = %scan3A_202 to %scan3A_204 step %scan3A_205  : i32 {
        %get3A = arith.constant 0 : i32
        %get3A_434 = arith.index_cast %get3A : i32 to index
        %get3A_435 = arith.index_cast %scan3A_433 : i32 to index
        %get3A_436 = arith.constant 0 : index
        %get3A_437 = tpu.vector_load %arg8[%get3A_434, %get3A_435, %get3A_436] {strides = array<i32>} : memref<4x200x64xf32, #tpu.memory_space<vmem>>, vector<1x1x16xf32>,
        %get3A_438 = vector.shape_cast %get3A_437 : vector<1x1x16xf32> to vector<16xf32>
        %mul3A_439 = arith.constant 8.000000e+00 : f32
        %mul3A_440 = vector.broadcast %mul3A_439 : f32 to vector<16xf32>
        %mul3A_441 = arith.mulf %get3A_438, %mul3A_440 : vector<16xf32>
        %get3A_442 = arith.index_cast %scan3A_433 : i32 to index
        %get3A_443 = arith.constant 0 : index
        %get3A_444 = tpu.vector_load %arg10[%get3A_442, %get3A_443] {strides = array<i32>} : memref<200x64xf32, #tpu.memory_space<vmem>>, vector<1x16xf32>,
        %get3A_445 = vector.shape_cast %get3A_444 : vector<1x16xf32> to vector<16xf32>
        %add3A_446 = arith.addf %mul3A_441, %get3A_445 : vector<16xf32>
        %swap3A = arith.constant 0 : i32
        %swap3A_447 = arith.index_cast %swap3A : i32 to index
        %swap3A_448 = arith.index_cast %scan3A_433 : i32 to index
        %swap3A_449 = arith.constant 0 : index
        %swap3A_450 = tpu.vector_load %arg9[%swap3A_447, %swap3A_448, %swap3A_449] {strides = array<i32>} : memref<2x200x64xf32, #tpu.memory_space<vmem>>, vector<1x1x16xf32>,
        %swap3A_451 = vector.shape_cast %swap3A_450 : vector<1x1x16xf32> to vector<16xf32>
        %swap3A_452 = vector.shape_cast %add3A_446 : vector<16xf32> to vector<1x1x16xf32>
        tpu.vector_store %arg9[%swap3A_447, %swap3A_448, %swap3A_449], %swap3A_452 {strides = array<i32>} : memref<2x200x64xf32, #tpu.memory_space<vmem>>, vector<1x1x16xf32>,
        %get3A_453 = arith.constant 0 : i32
        %get3A_454 = arith.index_cast %get3A_453 : i32 to index
        %get3A_455 = arith.index_cast %scan3A_433 : i32 to index
        %get3A_456 = arith.constant 16 : index
        %get3A_457 = tpu.vector_load %arg8[%get3A_454, %get3A_455, %get3A_456] {strides = array<i32>} : memref<4x200x64xf32, #tpu.memory_space<vmem>>, vector<1x1x16xf32>,
        %get3A_458 = vector.shape_cast %get3A_457 : vector<1x1x16xf32> to vector<16xf32>
        %mul3A_459 = arith.constant 8.000000e+00 : f32
        %mul3A_460 = vector.broadcast %mul3A_459 : f32 to vector<16xf32>
        %mul3A_461 = arith.mulf %get3A_458, %mul3A_460 : vector<16xf32>
        %get3A_462 = arith.index_cast %scan3A_433 : i32 to index
        %get3A_463 = arith.constant 16 : index
        %get3A_464 = tpu.vector_load %arg10[%get3A_462, %get3A_463] {strides = array<i32>} : memref<200x64xf32, #tpu.memory_space<vmem>>, vector<1x16xf32>,
        %get3A_465 = vector.shape_cast %get3A_464 : vector<1x16xf32> to vector<16xf32>
        %add3A_466 = arith.addf %mul3A_461, %get3A_465 : vector<16xf32>
        %swap3A_467 = arith.constant 0 : i32
        %swap3A_468 = arith.index_cast %swap3A_467 : i32 to index
        %swap3A_469 = arith.index_cast %scan3A_433 : i32 to index
        %swap3A_470 = arith.constant 16 : index
        %swap3A_471 = tpu.vector_load %arg9[%swap3A_468, %swap3A_469, %swap3A_470] {strides = array<i32>} : memref<2x200x64xf32, #tpu.memory_space<vmem>>, vector<1x1x16xf32>,
        %swap3A_472 = vector.shape_cast %swap3A_471 : vector<1x1x16xf32> to vector<16xf32>
        %swap3A_473 = vector.shape_cast %add3A_466 : vector<16xf32> to vector<1x1x16xf32>
        tpu.vector_store %arg9[%swap3A_468, %swap3A_469, %swap3A_470], %swap3A_473 {strides = array<i32>} : memref<2x200x64xf32, #tpu.memory_space<vmem>>, vector<1x1x16xf32>,
        %get3A_474 = arith.constant 0 : i32
        %get3A_475 = arith.index_cast %get3A_474 : i32 to index
        %get3A_476 = arith.index_cast %scan3A_433 : i32 to index
        %get3A_477 = arith.constant 32 : index
        %get3A_478 = tpu.vector_load %arg8[%get3A_475, %get3A_476, %get3A_477] {strides = array<i32>} : memref<4x200x64xf32, #tpu.memory_space<vmem>>, vector<1x1x16xf32>,
        %get3A_479 = vector.shape_cast %get3A_478 : vector<1x1x16xf32> to vector<16xf32>
        %mul3A_480 = arith.constant 8.000000e+00 : f32
        %mul3A_481 = vector.broadcast %mul3A_480 : f32 to vector<16xf32>
        %mul3A_482 = arith.mulf %get3A_479, %mul3A_481 : vector<16xf32>
        %get3A_483 = arith.index_cast %scan3A_433 : i32 to index
        %get3A_484 = arith.constant 32 : index
        %get3A_485 = tpu.vector_load %arg10[%get3A_483, %get3A_484] {strides = array<i32>} : memref<200x64xf32, #tpu.memory_space<vmem>>, vector<1x16xf32>,
        %get3A_486 = vector.shape_cast %get3A_485 : vector<1x16xf32> to vector<16xf32>
        %add3A_487 = arith.addf %mul3A_482, %get3A_486 : vector<16xf32>
        %swap3A_488 = arith.constant 0 : i32
        %swap3A_489 = arith.index_cast %swap3A_488 : i32 to index
        %swap3A_490 = arith.index_cast %scan3A_433 : i32 to index
        %swap3A_491 = arith.constant 32 : index
        %swap3A_492 = tpu.vector_load %arg9[%swap3A_489, %swap3A_490, %swap3A_491] {strides = array<i32>} : memref<2x200x64xf32, #tpu.memory_space<vmem>>, vector<1x1x16xf32>,
        %swap3A_493 = vector.shape_cast %swap3A_492 : vector<1x1x16xf32> to vector<16xf32>
        %swap3A_494 = vector.shape_cast %add3A_487 : vector<16xf32> to vector<1x1x16xf32>
        tpu.vector_store %arg9[%swap3A_489, %swap3A_490, %swap3A_491], %swap3A_494 {strides = array<i32>} : memref<2x200x64xf32, #tpu.memory_space<vmem>>, vector<1x1x16xf32>,
        %get3A_495 = arith.constant 0 : i32
        %get3A_496 = arith.index_cast %get3A_495 : i32 to index
        %get3A_497 = arith.index_cast %scan3A_433 : i32 to index
        %get3A_498 = arith.constant 48 : index
        %get3A_499 = tpu.vector_load %arg8[%get3A_496, %get3A_497, %get3A_498] {strides = array<i32>} : memref<4x200x64xf32, #tpu.memory_space<vmem>>, vector<1x1x16xf32>,
        %get3A_500 = vector.shape_cast %get3A_499 : vector<1x1x16xf32> to vector<16xf32>
        %mul3A_501 = arith.constant 8.000000e+00 : f32
        %mul3A_502 = vector.broadcast %mul3A_501 : f32 to vector<16xf32>
        %mul3A_503 = arith.mulf %get3A_500, %mul3A_502 : vector<16xf32>
        %get3A_504 = arith.index_cast %scan3A_433 : i32 to index
        %get3A_505 = arith.constant 48 : index
        %get3A_506 = tpu.vector_load %arg10[%get3A_504, %get3A_505] {strides = array<i32>} : memref<200x64xf32, #tpu.memory_space<vmem>>, vector<1x16xf32>,
        %get3A_507 = vector.shape_cast %get3A_506 : vector<1x16xf32> to vector<16xf32>
        %add3A_508 = arith.addf %mul3A_503, %get3A_507 : vector<16xf32>
        %swap3A_509 = arith.constant 0 : i32
        %swap3A_510 = arith.index_cast %swap3A_509 : i32 to index
        %swap3A_511 = arith.index_cast %scan3A_433 : i32 to index
        %swap3A_512 = arith.constant 48 : index
        %swap3A_513 = tpu.vector_load %arg9[%swap3A_510, %swap3A_511, %swap3A_512] {strides = array<i32>} : memref<2x200x64xf32, #tpu.memory_space<vmem>>, vector<1x1x16xf32>,
        %swap3A_514 = vector.shape_cast %swap3A_513 : vector<1x1x16xf32> to vector<16xf32>
        %swap3A_515 = vector.shape_cast %add3A_508 : vector<16xf32> to vector<1x1x16xf32>
        tpu.vector_store %arg9[%swap3A_510, %swap3A_511, %swap3A_512], %swap3A_515 {strides = array<i32>} : memref<2x200x64xf32, #tpu.memory_space<vmem>>, vector<1x1x16xf32>,
      }
      %scan3A_206 = arith.constant 200 : i32
      %add3A_207 = arith.addi %mul3A_2, %add3A_170 : i32
      %mul3A_208 = arith.constant 200 : i32
      %mul3A_209 = arith.muli %add3A_207, %mul3A_208 : i32
      %dma_start3A_210 = arith.constant 0 : i32
      %dma_start3A_211 = arith.constant 0 : i32
      %dma_start3A_212 = arith.constant 0 : i32
      %dma_start3A_213 = arith.constant 0 : i32
      %dma_start3A_214 = tpu.memref_slice %arg9[%dma_start3A_210, %dma_start3A_212, %dma_start3A_213] : memref<2x200x64xf32, #tpu.memory_space<vmem>> -> memref<1x200x64xf32, #tpu.memory_space<vmem>>
      %dma_start3A_215 = tpu.memref_squeeze %dma_start3A_214 : memref<1x200x64xf32, #tpu.memory_space<vmem>> -> memref<200x64xf32, #tpu.memory_space<vmem>>
      %dma_start3A_216 = arith.constant 0 : i32
      %dma_start3A_217 = tpu.memref_slice %arg5[%mul3A_209, %dma_start3A_216] : memref<819200x64xf32, #tpu.memory_space<hbm>> -> memref<200x64xf32, #tpu.memory_space<hbm>>
      %dma_start3A_218 = tpu.memref_slice %arg13[%dma_start3A_211] : memref<2x!tpu.dma_semaphore, #tpu.memory_space<semaphore_mem>> -> memref<1x!tpu.dma_semaphore, #tpu.memory_space<semaphore_mem>>
      %dma_start3A_219 = tpu.memref_squeeze %dma_start3A_218 : memref<1x!tpu.dma_semaphore, #tpu.memory_space<semaphore_mem>> -> memref<!tpu.dma_semaphore, #tpu.memory_space<semaphore_mem>>
      %dma_start3A_220 = arith.constant 0 : i32
      %dma_start3A_221 = tpu.memref_slice %arg5[%mul3A_209, %dma_start3A_220] : memref<819200x64xf32, #tpu.memory_space<hbm>> -> memref<200x64xf32, #tpu.memory_space<hbm>>
      %dma_start3A_222 = arith.constant 0 : i32
      %dma_start3A_223 = arith.constant 0 : i32
      %dma_start3A_224 = tpu.memref_slice %arg9[%dma_start3A_210, %dma_start3A_222, %dma_start3A_223] : memref<2x200x64xf32, #tpu.memory_space<vmem>> -> memref<1x200x64xf32, #tpu.memory_space<vmem>>
      %dma_start3A_225 = tpu.memref_squeeze %dma_start3A_224 : memref<1x200x64xf32, #tpu.memory_space<vmem>> -> memref<200x64xf32, #tpu.memory_space<vmem>>
      tpu.enqueue_dma source(%dma_start3A_225 : memref<200x64xf32, #tpu.memory_space<vmem>>) target(%dma_start3A_221 : memref<200x64xf32, #tpu.memory_space<hbm>>) target_semaphore(%dma_start3A_219 : memref<!tpu.dma_semaphore, #tpu.memory_space<semaphore_mem>>)
      %add3A_226 = arith.constant 4 : i32
      %add3A_227 = arith.addi %add3A_170, %add3A_226 : i32
      %lt3A = arith.constant 128 : i32
      %lt3A_228 = arith.cmpi slt, %add3A_227, %lt3A : i32
      %convert_element_type3A_229 = arith.extui %lt3A_228 : i1 to i32
      %cond3A_230 = arith.constant 0 : i32
      %cond3A_231 = arith.cmpi ne, %convert_element_type3A_229, %cond3A_230 : i32
      scf.if %cond3A_231 {
        %add3A_433 = arith.constant 4 : i32
        %add3A_434 = arith.addi %add3A_170, %add3A_433 : i32
        %dma_start3A_435 = arith.constant 0 : i32
        %dma_start3A_436 = arith.constant 0 : i32
        %dma_start3A_437 = arith.constant 0 : i32
        %dma_start3A_438 = arith.constant 0 : i32
        %dma_start3A_439 = tpu.memref_slice %arg8[%dma_start3A_435, %dma_start3A_437, %dma_start3A_438] : memref<4x200x64xf32, #tpu.memory_space<vmem>> -> memref<1x120x64xf32, #tpu.memory_space<vmem>>
        %dma_start3A_440 = tpu.memref_squeeze %dma_start3A_439 : memref<1x120x64xf32, #tpu.memory_space<vmem>> -> memref<120x64xf32, #tpu.memory_space<vmem>>
        %dma_start3A_441 = arith.constant 0 : i32
        %dma_start3A_442 = tpu.memref_slice %arg6[%add3A_434, %dma_start3A_441] : memref<128x120xi32, #tpu.memory_space<vmem>> -> memref<1x120xi32, #tpu.memory_space<vmem>>
        %dma_start3A_443 = tpu.memref_squeeze %dma_start3A_442 : memref<1x120xi32, #tpu.memory_space<vmem>> -> memref<120xi32, #tpu.memory_space<vmem>>
        %dma_start3A_444 = arith.constant 0 : i32
        %dma_start3A_445 = arith.constant 0 : i32
        %dma_start3A_446 = tpu.memref_slice %arg2[%dma_start3A_444, %dma_start3A_445] : memref<1000000x64xf32, #tpu.memory_space<hbm>> -> memref<1000000x64xf32, #tpu.memory_space<hbm>>
        %dma_start3A_447 = tpu.memref_slice %arg11[%dma_start3A_436] : memref<4x!tpu.dma_semaphore, #tpu.memory_space<semaphore_mem>> -> memref<1x!tpu.dma_semaphore, #tpu.memory_space<semaphore_mem>>
        %dma_start3A_448 = tpu.memref_squeeze %dma_start3A_447 : memref<1x!tpu.dma_semaphore, #tpu.memory_space<semaphore_mem>> -> memref<!tpu.dma_semaphore, #tpu.memory_space<semaphore_mem>>
        tpu.enqueue_indirect_dma source(%dma_start3A_446 : memref<1000000x64xf32, #tpu.memory_space<hbm>>) target(%dma_start3A_440 : memref<120x64xf32, #tpu.memory_space<vmem>>) offsets(%dma_start3A_443 : memref<120xi32, #tpu.memory_space<vmem>>) semaphore(%dma_start3A_448 : memref<!tpu.dma_semaphore, #tpu.memory_space<semaphore_mem>>)
        %add3A_449 = arith.constant 4 : i32
        %add3A_450 = arith.addi %add3A_170, %add3A_449 : i32
        %dma_start3A_451 = arith.constant 0 : i32
        %dma_start3A_452 = arith.constant 0 : i32
        %dma_start3A_453 = arith.constant 120 : i32
        %dma_start3A_454 = arith.constant 0 : i32
        %dma_start3A_455 = tpu.memref_slice %arg8[%dma_start3A_451, %dma_start3A_453, %dma_start3A_454] : memref<4x200x64xf32, #tpu.memory_space<vmem>> -> memref<1x80x64xf32, #tpu.memory_space<vmem>>
        %dma_start3A_456 = tpu.memref_squeeze %dma_start3A_455 : memref<1x80x64xf32, #tpu.memory_space<vmem>> -> memref<80x64xf32, #tpu.memory_space<vmem>>
        %dma_start3A_457 = arith.constant 0 : i32
        %dma_start3A_458 = tpu.memref_slice %arg7[%add3A_450, %dma_start3A_457] : memref<128x80xi32, #tpu.memory_space<vmem>> -> memref<1x80xi32, #tpu.memory_space<vmem>>
        %dma_start3A_459 = tpu.memref_squeeze %dma_start3A_458 : memref<1x80xi32, #tpu.memory_space<vmem>> -> memref<80xi32, #tpu.memory_space<vmem>>
        %dma_start3A_460 = arith.constant 0 : i32
        %dma_start3A_461 = arith.constant 0 : i32
        %dma_start3A_462 = tpu.memref_slice %arg2[%dma_start3A_460, %dma_start3A_461] : memref<1000000x64xf32, #tpu.memory_space<hbm>> -> memref<1000000x64xf32, #tpu.memory_space<hbm>>
        %dma_start3A_463 = tpu.memref_slice %arg12[%dma_start3A_452] : memref<4x!tpu.dma_semaphore, #tpu.memory_space<semaphore_mem>> -> memref<1x!tpu.dma_semaphore, #tpu.memory_space<semaphore_mem>>
        %dma_start3A_464 = tpu.memref_squeeze %dma_start3A_463 : memref<1x!tpu.dma_semaphore, #tpu.memory_space<semaphore_mem>> -> memref<!tpu.dma_semaphore, #tpu.memory_space<semaphore_mem>>
        tpu.enqueue_indirect_dma source(%dma_start3A_462 : memref<1000000x64xf32, #tpu.memory_space<hbm>>) target(%dma_start3A_456 : memref<80x64xf32, #tpu.memory_space<vmem>>) offsets(%dma_start3A_459 : memref<80xi32, #tpu.memory_space<vmem>>) semaphore(%dma_start3A_464 : memref<!tpu.dma_semaphore, #tpu.memory_space<semaphore_mem>>)
      } else {
      }
      %add3A_232 = arith.constant 1 : i32
      %add3A_233 = arith.addi %mul3A_168, %add3A_232 : i32
      %dma_wait3A_234 = arith.constant 1 : i32
      %dma_wait3A_235 = arith.constant 1 : i32
      %dma_wait3A_236 = arith.constant 0 : i32
      %dma_wait3A_237 = arith.constant 0 : i32
      %dma_wait3A_238 = tpu.memref_slice %arg8[%dma_wait3A_234, %dma_wait3A_236, %dma_wait3A_237] : memref<4x200x64xf32, #tpu.memory_space<vmem>> -> memref<1x120x64xf32, #tpu.memory_space<vmem>>
      %dma_wait3A_239 = tpu.memref_squeeze %dma_wait3A_238 : memref<1x120x64xf32, #tpu.memory_space<vmem>> -> memref<120x64xf32, #tpu.memory_space<vmem>>
      %dma_wait3A_240 = arith.constant 0 : i32
      %dma_wait3A_241 = tpu.memref_slice %arg6[%add3A_233, %dma_wait3A_240] : memref<128x120xi32, #tpu.memory_space<vmem>> -> memref<1x120xi32, #tpu.memory_space<vmem>>
      %dma_wait3A_242 = tpu.memref_squeeze %dma_wait3A_241 : memref<1x120xi32, #tpu.memory_space<vmem>> -> memref<120xi32, #tpu.memory_space<vmem>>
      %dma_wait3A_243 = arith.constant 0 : i32
      %dma_wait3A_244 = arith.constant 0 : i32
      %dma_wait3A_245 = tpu.memref_slice %arg2[%dma_wait3A_243, %dma_wait3A_244] : memref<1000000x64xf32, #tpu.memory_space<hbm>> -> memref<1000000x64xf32, #tpu.memory_space<hbm>>
      %dma_wait3A_246 = tpu.memref_slice %arg11[%dma_wait3A_235] : memref<4x!tpu.dma_semaphore, #tpu.memory_space<semaphore_mem>> -> memref<1x!tpu.dma_semaphore, #tpu.memory_space<semaphore_mem>>
      %dma_wait3A_247 = tpu.memref_squeeze %dma_wait3A_246 : memref<1x!tpu.dma_semaphore, #tpu.memory_space<semaphore_mem>> -> memref<!tpu.dma_semaphore, #tpu.memory_space<semaphore_mem>>
      tpu.wait_indirect_dma semaphore(%dma_wait3A_247 : memref<!tpu.dma_semaphore, #tpu.memory_space<semaphore_mem>>) src(%dma_wait3A_245 : memref<1000000x64xf32, #tpu.memory_space<hbm>>) dst(%dma_wait3A_239 : memref<120x64xf32, #tpu.memory_space<vmem>>)
      %dma_wait3A_248 = arith.constant 1 : i32
      %dma_wait3A_249 = arith.constant 1 : i32
      %dma_wait3A_250 = arith.constant 120 : i32
      %dma_wait3A_251 = arith.constant 0 : i32
      %dma_wait3A_252 = tpu.memref_slice %arg8[%dma_wait3A_248, %dma_wait3A_250, %dma_wait3A_251] : memref<4x200x64xf32, #tpu.memory_space<vmem>> -> memref<1x80x64xf32, #tpu.memory_space<vmem>>
      %dma_wait3A_253 = tpu.memref_squeeze %dma_wait3A_252 : memref<1x80x64xf32, #tpu.memory_space<vmem>> -> memref<80x64xf32, #tpu.memory_space<vmem>>
      %dma_wait3A_254 = arith.constant 0 : i32
      %dma_wait3A_255 = tpu.memref_slice %arg7[%add3A_233, %dma_wait3A_254] : memref<128x80xi32, #tpu.memory_space<vmem>> -> memref<1x80xi32, #tpu.memory_space<vmem>>
      %dma_wait3A_256 = tpu.memref_squeeze %dma_wait3A_255 : memref<1x80xi32, #tpu.memory_space<vmem>> -> memref<80xi32, #tpu.memory_space<vmem>>
      %dma_wait3A_257 = arith.constant 0 : i32
      %dma_wait3A_258 = arith.constant 0 : i32
      %dma_wait3A_259 = tpu.memref_slice %arg2[%dma_wait3A_257, %dma_wait3A_258] : memref<1000000x64xf32, #tpu.memory_space<hbm>> -> memref<1000000x64xf32, #tpu.memory_space<hbm>>
      %dma_wait3A_260 = tpu.memref_slice %arg12[%dma_wait3A_249] : memref<4x!tpu.dma_semaphore, #tpu.memory_space<semaphore_mem>> -> memref<1x!tpu.dma_semaphore, #tpu.memory_space<semaphore_mem>>
      %dma_wait3A_261 = tpu.memref_squeeze %dma_wait3A_260 : memref<1x!tpu.dma_semaphore, #tpu.memory_space<semaphore_mem>> -> memref<!tpu.dma_semaphore, #tpu.memory_space<semaphore_mem>>
      tpu.wait_indirect_dma semaphore(%dma_wait3A_261 : memref<!tpu.dma_semaphore, #tpu.memory_space<semaphore_mem>>) src(%dma_wait3A_259 : memref<1000000x64xf32, #tpu.memory_space<hbm>>) dst(%dma_wait3A_253 : memref<80x64xf32, #tpu.memory_space<vmem>>)
      %ge3A_262 = arith.constant 2 : i32
      %ge3A_263 = arith.cmpi sge, %add3A_233, %ge3A_262 : i32
      %convert_element_type3A_264 = arith.extui %ge3A_263 : i1 to i32
      %cond3A_265 = arith.constant 0 : i32
      %cond3A_266 = arith.cmpi ne, %convert_element_type3A_264, %cond3A_265 : i32
      scf.if %cond3A_266 {
        %sub3A = arith.constant 2 : i32
        %sub3A_433 = arith.subi %add3A_233, %sub3A : i32
        %add3A_434 = arith.addi %mul3A_2, %sub3A_433 : i32
        %mul3A_435 = arith.constant 200 : i32
        %mul3A_436 = arith.muli %add3A_434, %mul3A_435 : i32
        %dma_wait3A_437 = arith.constant 1 : i32
        %dma_wait3A_438 = arith.constant 1 : i32
        %dma_wait3A_439 = arith.constant 0 : i32
        %dma_wait3A_440 = arith.constant 0 : i32
        %dma_wait3A_441 = tpu.memref_slice %arg9[%dma_wait3A_437, %dma_wait3A_439, %dma_wait3A_440] : memref<2x200x64xf32, #tpu.memory_space<vmem>> -> memref<1x200x64xf32, #tpu.memory_space<vmem>>
        %dma_wait3A_442 = tpu.memref_squeeze %dma_wait3A_441 : memref<1x200x64xf32, #tpu.memory_space<vmem>> -> memref<200x64xf32, #tpu.memory_space<vmem>>
        %dma_wait3A_443 = arith.constant 0 : i32
        %dma_wait3A_444 = tpu.memref_slice %arg5[%mul3A_436, %dma_wait3A_443] : memref<819200x64xf32, #tpu.memory_space<hbm>> -> memref<200x64xf32, #tpu.memory_space<hbm>>
        %dma_wait3A_445 = tpu.memref_slice %arg13[%dma_wait3A_438] : memref<2x!tpu.dma_semaphore, #tpu.memory_space<semaphore_mem>> -> memref<1x!tpu.dma_semaphore, #tpu.memory_space<semaphore_mem>>
        %dma_wait3A_446 = tpu.memref_squeeze %dma_wait3A_445 : memref<1x!tpu.dma_semaphore, #tpu.memory_space<semaphore_mem>> -> memref<!tpu.dma_semaphore, #tpu.memory_space<semaphore_mem>>
        %dma_wait3A_447 = arith.constant 0 : i32
        %dma_wait3A_448 = tpu.memref_slice %arg5[%mul3A_436, %dma_wait3A_447] : memref<819200x64xf32, #tpu.memory_space<hbm>> -> memref<200x64xf32, #tpu.memory_space<hbm>>
        %dma_wait3A_449 = arith.constant 0 : i32
        %dma_wait3A_450 = arith.constant 0 : i32
        %dma_wait3A_451 = tpu.memref_slice %arg9[%dma_wait3A_437, %dma_wait3A_449, %dma_wait3A_450] : memref<2x200x64xf32, #tpu.memory_space<vmem>> -> memref<1x200x64xf32, #tpu.memory_space<vmem>>
        %dma_wait3A_452 = tpu.memref_squeeze %dma_wait3A_451 : memref<1x200x64xf32, #tpu.memory_space<vmem>> -> memref<200x64xf32, #tpu.memory_space<vmem>>
        tpu.wait_dma2 semaphore(%dma_wait3A_446 : memref<!tpu.dma_semaphore, #tpu.memory_space<semaphore_mem>>) src(%dma_wait3A_452 : memref<200x64xf32, #tpu.memory_space<vmem>>) dst(%dma_wait3A_448 : memref<200x64xf32, #tpu.memory_space<hbm>>)
      } else {
      }
      %scan3A_267 = arith.constant 0 : i32
      %scan3A_268 = arith.constant 0 : i32
      %scan3A_269 = arith.constant 200 : i32
      %scan3A_270 = arith.addi %scan3A_268, %scan3A_269 : i32
      %scan3A_271 = arith.constant 1 : i32
      scf.for %scan3A_433 = %scan3A_268 to %scan3A_270 step %scan3A_271  : i32 {
        %get3A = arith.constant 1 : i32
        %get3A_434 = arith.index_cast %get3A : i32 to index
        %get3A_435 = arith.index_cast %scan3A_433 : i32 to index
        %get3A_436 = arith.constant 0 : index
        %get3A_437 = tpu.vector_load %arg8[%get3A_434, %get3A_435, %get3A_436] {strides = array<i32>} : memref<4x200x64xf32, #tpu.memory_space<vmem>>, vector<1x1x16xf32>,
        %get3A_438 = vector.shape_cast %get3A_437 : vector<1x1x16xf32> to vector<16xf32>
        %mul3A_439 = arith.constant 8.000000e+00 : f32
        %mul3A_440 = vector.broadcast %mul3A_439 : f32 to vector<16xf32>
        %mul3A_441 = arith.mulf %get3A_438, %mul3A_440 : vector<16xf32>
        %get3A_442 = arith.index_cast %scan3A_433 : i32 to index
        %get3A_443 = arith.constant 0 : index
        %get3A_444 = tpu.vector_load %arg10[%get3A_442, %get3A_443] {strides = array<i32>} : memref<200x64xf32, #tpu.memory_space<vmem>>, vector<1x16xf32>,
        %get3A_445 = vector.shape_cast %get3A_444 : vector<1x16xf32> to vector<16xf32>
        %add3A_446 = arith.addf %mul3A_441, %get3A_445 : vector<16xf32>
        %swap3A = arith.constant 1 : i32
        %swap3A_447 = arith.index_cast %swap3A : i32 to index
        %swap3A_448 = arith.index_cast %scan3A_433 : i32 to index
        %swap3A_449 = arith.constant 0 : index
        %swap3A_450 = tpu.vector_load %arg9[%swap3A_447, %swap3A_448, %swap3A_449] {strides = array<i32>} : memref<2x200x64xf32, #tpu.memory_space<vmem>>, vector<1x1x16xf32>,
        %swap3A_451 = vector.shape_cast %swap3A_450 : vector<1x1x16xf32> to vector<16xf32>
        %swap3A_452 = vector.shape_cast %add3A_446 : vector<16xf32> to vector<1x1x16xf32>
        tpu.vector_store %arg9[%swap3A_447, %swap3A_448, %swap3A_449], %swap3A_452 {strides = array<i32>} : memref<2x200x64xf32, #tpu.memory_space<vmem>>, vector<1x1x16xf32>,
        %get3A_453 = arith.constant 1 : i32
        %get3A_454 = arith.index_cast %get3A_453 : i32 to index
        %get3A_455 = arith.index_cast %scan3A_433 : i32 to index
        %get3A_456 = arith.constant 16 : index
        %get3A_457 = tpu.vector_load %arg8[%get3A_454, %get3A_455, %get3A_456] {strides = array<i32>} : memref<4x200x64xf32, #tpu.memory_space<vmem>>, vector<1x1x16xf32>,
        %get3A_458 = vector.shape_cast %get3A_457 : vector<1x1x16xf32> to vector<16xf32>
        %mul3A_459 = arith.constant 8.000000e+00 : f32
        %mul3A_460 = vector.broadcast %mul3A_459 : f32 to vector<16xf32>
        %mul3A_461 = arith.mulf %get3A_458, %mul3A_460 : vector<16xf32>
        %get3A_462 = arith.index_cast %scan3A_433 : i32 to index
        %get3A_463 = arith.constant 16 : index
        %get3A_464 = tpu.vector_load %arg10[%get3A_462, %get3A_463] {strides = array<i32>} : memref<200x64xf32, #tpu.memory_space<vmem>>, vector<1x16xf32>,
        %get3A_465 = vector.shape_cast %get3A_464 : vector<1x16xf32> to vector<16xf32>
        %add3A_466 = arith.addf %mul3A_461, %get3A_465 : vector<16xf32>
        %swap3A_467 = arith.constant 1 : i32
        %swap3A_468 = arith.index_cast %swap3A_467 : i32 to index
        %swap3A_469 = arith.index_cast %scan3A_433 : i32 to index
        %swap3A_470 = arith.constant 16 : index
        %swap3A_471 = tpu.vector_load %arg9[%swap3A_468, %swap3A_469, %swap3A_470] {strides = array<i32>} : memref<2x200x64xf32, #tpu.memory_space<vmem>>, vector<1x1x16xf32>,
        %swap3A_472 = vector.shape_cast %swap3A_471 : vector<1x1x16xf32> to vector<16xf32>
        %swap3A_473 = vector.shape_cast %add3A_466 : vector<16xf32> to vector<1x1x16xf32>
        tpu.vector_store %arg9[%swap3A_468, %swap3A_469, %swap3A_470], %swap3A_473 {strides = array<i32>} : memref<2x200x64xf32, #tpu.memory_space<vmem>>, vector<1x1x16xf32>,
        %get3A_474 = arith.constant 1 : i32
        %get3A_475 = arith.index_cast %get3A_474 : i32 to index
        %get3A_476 = arith.index_cast %scan3A_433 : i32 to index
        %get3A_477 = arith.constant 32 : index
        %get3A_478 = tpu.vector_load %arg8[%get3A_475, %get3A_476, %get3A_477] {strides = array<i32>} : memref<4x200x64xf32, #tpu.memory_space<vmem>>, vector<1x1x16xf32>,
        %get3A_479 = vector.shape_cast %get3A_478 : vector<1x1x16xf32> to vector<16xf32>
        %mul3A_480 = arith.constant 8.000000e+00 : f32
        %mul3A_481 = vector.broadcast %mul3A_480 : f32 to vector<16xf32>
        %mul3A_482 = arith.mulf %get3A_479, %mul3A_481 : vector<16xf32>
        %get3A_483 = arith.index_cast %scan3A_433 : i32 to index
        %get3A_484 = arith.constant 32 : index
        %get3A_485 = tpu.vector_load %arg10[%get3A_483, %get3A_484] {strides = array<i32>} : memref<200x64xf32, #tpu.memory_space<vmem>>, vector<1x16xf32>,
        %get3A_486 = vector.shape_cast %get3A_485 : vector<1x16xf32> to vector<16xf32>
        %add3A_487 = arith.addf %mul3A_482, %get3A_486 : vector<16xf32>
        %swap3A_488 = arith.constant 1 : i32
        %swap3A_489 = arith.index_cast %swap3A_488 : i32 to index
        %swap3A_490 = arith.index_cast %scan3A_433 : i32 to index
        %swap3A_491 = arith.constant 32 : index
        %swap3A_492 = tpu.vector_load %arg9[%swap3A_489, %swap3A_490, %swap3A_491] {strides = array<i32>} : memref<2x200x64xf32, #tpu.memory_space<vmem>>, vector<1x1x16xf32>,
        %swap3A_493 = vector.shape_cast %swap3A_492 : vector<1x1x16xf32> to vector<16xf32>
        %swap3A_494 = vector.shape_cast %add3A_487 : vector<16xf32> to vector<1x1x16xf32>
        tpu.vector_store %arg9[%swap3A_489, %swap3A_490, %swap3A_491], %swap3A_494 {strides = array<i32>} : memref<2x200x64xf32, #tpu.memory_space<vmem>>, vector<1x1x16xf32>,
        %get3A_495 = arith.constant 1 : i32
        %get3A_496 = arith.index_cast %get3A_495 : i32 to index
        %get3A_497 = arith.index_cast %scan3A_433 : i32 to index
        %get3A_498 = arith.constant 48 : index
        %get3A_499 = tpu.vector_load %arg8[%get3A_496, %get3A_497, %get3A_498] {strides = array<i32>} : memref<4x200x64xf32, #tpu.memory_space<vmem>>, vector<1x1x16xf32>,
        %get3A_500 = vector.shape_cast %get3A_499 : vector<1x1x16xf32> to vector<16xf32>
        %mul3A_501 = arith.constant 8.000000e+00 : f32
        %mul3A_502 = vector.broadcast %mul3A_501 : f32 to vector<16xf32>
        %mul3A_503 = arith.mulf %get3A_500, %mul3A_502 : vector<16xf32>
        %get3A_504 = arith.index_cast %scan3A_433 : i32 to index
        %get3A_505 = arith.constant 48 : index
        %get3A_506 = tpu.vector_load %arg10[%get3A_504, %get3A_505] {strides = array<i32>} : memref<200x64xf32, #tpu.memory_space<vmem>>, vector<1x16xf32>,
        %get3A_507 = vector.shape_cast %get3A_506 : vector<1x16xf32> to vector<16xf32>
        %add3A_508 = arith.addf %mul3A_503, %get3A_507 : vector<16xf32>
        %swap3A_509 = arith.constant 1 : i32
        %swap3A_510 = arith.index_cast %swap3A_509 : i32 to index
        %swap3A_511 = arith.index_cast %scan3A_433 : i32 to index
        %swap3A_512 = arith.constant 48 : index
        %swap3A_513 = tpu.vector_load %arg9[%swap3A_510, %swap3A_511, %swap3A_512] {strides = array<i32>} : memref<2x200x64xf32, #tpu.memory_space<vmem>>, vector<1x1x16xf32>,
        %swap3A_514 = vector.shape_cast %swap3A_513 : vector<1x1x16xf32> to vector<16xf32>
        %swap3A_515 = vector.shape_cast %add3A_508 : vector<16xf32> to vector<1x1x16xf32>
        tpu.vector_store %arg9[%swap3A_510, %swap3A_511, %swap3A_512], %swap3A_515 {strides = array<i32>} : memref<2x200x64xf32, #tpu.memory_space<vmem>>, vector<1x1x16xf32>,
      }
      %scan3A_272 = arith.constant 200 : i32
      %add3A_273 = arith.addi %mul3A_2, %add3A_233 : i32
      %mul3A_274 = arith.constant 200 : i32
      %mul3A_275 = arith.muli %add3A_273, %mul3A_274 : i32
      %dma_start3A_276 = arith.constant 1 : i32
      %dma_start3A_277 = arith.constant 1 : i32
      %dma_start3A_278 = arith.constant 0 : i32
      %dma_start3A_279 = arith.constant 0 : i32
      %dma_start3A_280 = tpu.memref_slice %arg9[%dma_start3A_276, %dma_start3A_278, %dma_start3A_279] : memref<2x200x64xf32, #tpu.memory_space<vmem>> -> memref<1x200x64xf32, #tpu.memory_space<vmem>>
      %dma_start3A_281 = tpu.memref_squeeze %dma_start3A_280 : memref<1x200x64xf32, #tpu.memory_space<vmem>> -> memref<200x64xf32, #tpu.memory_space<vmem>>
      %dma_start3A_282 = arith.constant 0 : i32
      %dma_start3A_283 = tpu.memref_slice %arg5[%mul3A_275, %dma_start3A_282] : memref<819200x64xf32, #tpu.memory_space<hbm>> -> memref<200x64xf32, #tpu.memory_space<hbm>>
      %dma_start3A_284 = tpu.memref_slice %arg13[%dma_start3A_277] : memref<2x!tpu.dma_semaphore, #tpu.memory_space<semaphore_mem>> -> memref<1x!tpu.dma_semaphore, #tpu.memory_space<semaphore_mem>>
      %dma_start3A_285 = tpu.memref_squeeze %dma_start3A_284 : memref<1x!tpu.dma_semaphore, #tpu.memory_space<semaphore_mem>> -> memref<!tpu.dma_semaphore, #tpu.memory_space<semaphore_mem>>
      %dma_start3A_286 = arith.constant 0 : i32
      %dma_start3A_287 = tpu.memref_slice %arg5[%mul3A_275, %dma_start3A_286] : memref<819200x64xf32, #tpu.memory_space<hbm>> -> memref<200x64xf32, #tpu.memory_space<hbm>>
      %dma_start3A_288 = arith.constant 0 : i32
      %dma_start3A_289 = arith.constant 0 : i32
      %dma_start3A_290 = tpu.memref_slice %arg9[%dma_start3A_276, %dma_start3A_288, %dma_start3A_289] : memref<2x200x64xf32, #tpu.memory_space<vmem>> -> memref<1x200x64xf32, #tpu.memory_space<vmem>>
      %dma_start3A_291 = tpu.memref_squeeze %dma_start3A_290 : memref<1x200x64xf32, #tpu.memory_space<vmem>> -> memref<200x64xf32, #tpu.memory_space<vmem>>
      tpu.enqueue_dma source(%dma_start3A_291 : memref<200x64xf32, #tpu.memory_space<vmem>>) target(%dma_start3A_287 : memref<200x64xf32, #tpu.memory_space<hbm>>) target_semaphore(%dma_start3A_285 : memref<!tpu.dma_semaphore, #tpu.memory_space<semaphore_mem>>)
      %add3A_292 = arith.constant 4 : i32
      %add3A_293 = arith.addi %add3A_233, %add3A_292 : i32
      %lt3A_294 = arith.constant 128 : i32
      %lt3A_295 = arith.cmpi slt, %add3A_293, %lt3A_294 : i32
      %convert_element_type3A_296 = arith.extui %lt3A_295 : i1 to i32
      %cond3A_297 = arith.constant 0 : i32
      %cond3A_298 = arith.cmpi ne, %convert_element_type3A_296, %cond3A_297 : i32
      scf.if %cond3A_298 {
        %add3A_433 = arith.constant 4 : i32
        %add3A_434 = arith.addi %add3A_233, %add3A_433 : i32
        %dma_start3A_435 = arith.constant 1 : i32
        %dma_start3A_436 = arith.constant 1 : i32
        %dma_start3A_437 = arith.constant 0 : i32
        %dma_start3A_438 = arith.constant 0 : i32
        %dma_start3A_439 = tpu.memref_slice %arg8[%dma_start3A_435, %dma_start3A_437, %dma_start3A_438] : memref<4x200x64xf32, #tpu.memory_space<vmem>> -> memref<1x120x64xf32, #tpu.memory_space<vmem>>
        %dma_start3A_440 = tpu.memref_squeeze %dma_start3A_439 : memref<1x120x64xf32, #tpu.memory_space<vmem>> -> memref<120x64xf32, #tpu.memory_space<vmem>>
        %dma_start3A_441 = arith.constant 0 : i32
        %dma_start3A_442 = tpu.memref_slice %arg6[%add3A_434, %dma_start3A_441] : memref<128x120xi32, #tpu.memory_space<vmem>> -> memref<1x120xi32, #tpu.memory_space<vmem>>
        %dma_start3A_443 = tpu.memref_squeeze %dma_start3A_442 : memref<1x120xi32, #tpu.memory_space<vmem>> -> memref<120xi32, #tpu.memory_space<vmem>>
        %dma_start3A_444 = arith.constant 0 : i32
        %dma_start3A_445 = arith.constant 0 : i32
        %dma_start3A_446 = tpu.memref_slice %arg2[%dma_start3A_444, %dma_start3A_445] : memref<1000000x64xf32, #tpu.memory_space<hbm>> -> memref<1000000x64xf32, #tpu.memory_space<hbm>>
        %dma_start3A_447 = tpu.memref_slice %arg11[%dma_start3A_436] : memref<4x!tpu.dma_semaphore, #tpu.memory_space<semaphore_mem>> -> memref<1x!tpu.dma_semaphore, #tpu.memory_space<semaphore_mem>>
        %dma_start3A_448 = tpu.memref_squeeze %dma_start3A_447 : memref<1x!tpu.dma_semaphore, #tpu.memory_space<semaphore_mem>> -> memref<!tpu.dma_semaphore, #tpu.memory_space<semaphore_mem>>
        tpu.enqueue_indirect_dma source(%dma_start3A_446 : memref<1000000x64xf32, #tpu.memory_space<hbm>>) target(%dma_start3A_440 : memref<120x64xf32, #tpu.memory_space<vmem>>) offsets(%dma_start3A_443 : memref<120xi32, #tpu.memory_space<vmem>>) semaphore(%dma_start3A_448 : memref<!tpu.dma_semaphore, #tpu.memory_space<semaphore_mem>>)
        %add3A_449 = arith.constant 4 : i32
        %add3A_450 = arith.addi %add3A_233, %add3A_449 : i32
        %dma_start3A_451 = arith.constant 1 : i32
        %dma_start3A_452 = arith.constant 1 : i32
        %dma_start3A_453 = arith.constant 120 : i32
        %dma_start3A_454 = arith.constant 0 : i32
        %dma_start3A_455 = tpu.memref_slice %arg8[%dma_start3A_451, %dma_start3A_453, %dma_start3A_454] : memref<4x200x64xf32, #tpu.memory_space<vmem>> -> memref<1x80x64xf32, #tpu.memory_space<vmem>>
        %dma_start3A_456 = tpu.memref_squeeze %dma_start3A_455 : memref<1x80x64xf32, #tpu.memory_space<vmem>> -> memref<80x64xf32, #tpu.memory_space<vmem>>
        %dma_start3A_457 = arith.constant 0 : i32
        %dma_start3A_458 = tpu.memref_slice %arg7[%add3A_450, %dma_start3A_457] : memref<128x80xi32, #tpu.memory_space<vmem>> -> memref<1x80xi32, #tpu.memory_space<vmem>>
        %dma_start3A_459 = tpu.memref_squeeze %dma_start3A_458 : memref<1x80xi32, #tpu.memory_space<vmem>> -> memref<80xi32, #tpu.memory_space<vmem>>
        %dma_start3A_460 = arith.constant 0 : i32
        %dma_start3A_461 = arith.constant 0 : i32
        %dma_start3A_462 = tpu.memref_slice %arg2[%dma_start3A_460, %dma_start3A_461] : memref<1000000x64xf32, #tpu.memory_space<hbm>> -> memref<1000000x64xf32, #tpu.memory_space<hbm>>
        %dma_start3A_463 = tpu.memref_slice %arg12[%dma_start3A_452] : memref<4x!tpu.dma_semaphore, #tpu.memory_space<semaphore_mem>> -> memref<1x!tpu.dma_semaphore, #tpu.memory_space<semaphore_mem>>
        %dma_start3A_464 = tpu.memref_squeeze %dma_start3A_463 : memref<1x!tpu.dma_semaphore, #tpu.memory_space<semaphore_mem>> -> memref<!tpu.dma_semaphore, #tpu.memory_space<semaphore_mem>>
        tpu.enqueue_indirect_dma source(%dma_start3A_462 : memref<1000000x64xf32, #tpu.memory_space<hbm>>) target(%dma_start3A_456 : memref<80x64xf32, #tpu.memory_space<vmem>>) offsets(%dma_start3A_459 : memref<80xi32, #tpu.memory_space<vmem>>) semaphore(%dma_start3A_464 : memref<!tpu.dma_semaphore, #tpu.memory_space<semaphore_mem>>)
      } else {
      }
      %add3A_299 = arith.constant 2 : i32
      %add3A_300 = arith.addi %mul3A_168, %add3A_299 : i32
      %dma_wait3A_301 = arith.constant 2 : i32
      %dma_wait3A_302 = arith.constant 2 : i32
      %dma_wait3A_303 = arith.constant 0 : i32
      %dma_wait3A_304 = arith.constant 0 : i32
      %dma_wait3A_305 = tpu.memref_slice %arg8[%dma_wait3A_301, %dma_wait3A_303, %dma_wait3A_304] : memref<4x200x64xf32, #tpu.memory_space<vmem>> -> memref<1x120x64xf32, #tpu.memory_space<vmem>>
      %dma_wait3A_306 = tpu.memref_squeeze %dma_wait3A_305 : memref<1x120x64xf32, #tpu.memory_space<vmem>> -> memref<120x64xf32, #tpu.memory_space<vmem>>
      %dma_wait3A_307 = arith.constant 0 : i32
      %dma_wait3A_308 = tpu.memref_slice %arg6[%add3A_300, %dma_wait3A_307] : memref<128x120xi32, #tpu.memory_space<vmem>> -> memref<1x120xi32, #tpu.memory_space<vmem>>
      %dma_wait3A_309 = tpu.memref_squeeze %dma_wait3A_308 : memref<1x120xi32, #tpu.memory_space<vmem>> -> memref<120xi32, #tpu.memory_space<vmem>>
      %dma_wait3A_310 = arith.constant 0 : i32
      %dma_wait3A_311 = arith.constant 0 : i32
      %dma_wait3A_312 = tpu.memref_slice %arg2[%dma_wait3A_310, %dma_wait3A_311] : memref<1000000x64xf32, #tpu.memory_space<hbm>> -> memref<1000000x64xf32, #tpu.memory_space<hbm>>
      %dma_wait3A_313 = tpu.memref_slice %arg11[%dma_wait3A_302] : memref<4x!tpu.dma_semaphore, #tpu.memory_space<semaphore_mem>> -> memref<1x!tpu.dma_semaphore, #tpu.memory_space<semaphore_mem>>
      %dma_wait3A_314 = tpu.memref_squeeze %dma_wait3A_313 : memref<1x!tpu.dma_semaphore, #tpu.memory_space<semaphore_mem>> -> memref<!tpu.dma_semaphore, #tpu.memory_space<semaphore_mem>>
      tpu.wait_indirect_dma semaphore(%dma_wait3A_314 : memref<!tpu.dma_semaphore, #tpu.memory_space<semaphore_mem>>) src(%dma_wait3A_312 : memref<1000000x64xf32, #tpu.memory_space<hbm>>) dst(%dma_wait3A_306 : memref<120x64xf32, #tpu.memory_space<vmem>>)
      %dma_wait3A_315 = arith.constant 2 : i32
      %dma_wait3A_316 = arith.constant 2 : i32
      %dma_wait3A_317 = arith.constant 120 : i32
      %dma_wait3A_318 = arith.constant 0 : i32
      %dma_wait3A_319 = tpu.memref_slice %arg8[%dma_wait3A_315, %dma_wait3A_317, %dma_wait3A_318] : memref<4x200x64xf32, #tpu.memory_space<vmem>> -> memref<1x80x64xf32, #tpu.memory_space<vmem>>
      %dma_wait3A_320 = tpu.memref_squeeze %dma_wait3A_319 : memref<1x80x64xf32, #tpu.memory_space<vmem>> -> memref<80x64xf32, #tpu.memory_space<vmem>>
      %dma_wait3A_321 = arith.constant 0 : i32
      %dma_wait3A_322 = tpu.memref_slice %arg7[%add3A_300, %dma_wait3A_321] : memref<128x80xi32, #tpu.memory_space<vmem>> -> memref<1x80xi32, #tpu.memory_space<vmem>>
      %dma_wait3A_323 = tpu.memref_squeeze %dma_wait3A_322 : memref<1x80xi32, #tpu.memory_space<vmem>> -> memref<80xi32, #tpu.memory_space<vmem>>
      %dma_wait3A_324 = arith.constant 0 : i32
      %dma_wait3A_325 = arith.constant 0 : i32
      %dma_wait3A_326 = tpu.memref_slice %arg2[%dma_wait3A_324, %dma_wait3A_325] : memref<1000000x64xf32, #tpu.memory_space<hbm>> -> memref<1000000x64xf32, #tpu.memory_space<hbm>>
      %dma_wait3A_327 = tpu.memref_slice %arg12[%dma_wait3A_316] : memref<4x!tpu.dma_semaphore, #tpu.memory_space<semaphore_mem>> -> memref<1x!tpu.dma_semaphore, #tpu.memory_space<semaphore_mem>>
      %dma_wait3A_328 = tpu.memref_squeeze %dma_wait3A_327 : memref<1x!tpu.dma_semaphore, #tpu.memory_space<semaphore_mem>> -> memref<!tpu.dma_semaphore, #tpu.memory_space<semaphore_mem>>
      tpu.wait_indirect_dma semaphore(%dma_wait3A_328 : memref<!tpu.dma_semaphore, #tpu.memory_space<semaphore_mem>>) src(%dma_wait3A_326 : memref<1000000x64xf32, #tpu.memory_space<hbm>>) dst(%dma_wait3A_320 : memref<80x64xf32, #tpu.memory_space<vmem>>)
      %ge3A_329 = arith.constant 2 : i32
      %ge3A_330 = arith.cmpi sge, %add3A_300, %ge3A_329 : i32
      %convert_element_type3A_331 = arith.extui %ge3A_330 : i1 to i32
      %cond3A_332 = arith.constant 0 : i32
      %cond3A_333 = arith.cmpi ne, %convert_element_type3A_331, %cond3A_332 : i32
      scf.if %cond3A_333 {
        %sub3A = arith.constant 2 : i32
        %sub3A_433 = arith.subi %add3A_300, %sub3A : i32
        %add3A_434 = arith.addi %mul3A_2, %sub3A_433 : i32
        %mul3A_435 = arith.constant 200 : i32
        %mul3A_436 = arith.muli %add3A_434, %mul3A_435 : i32
        %dma_wait3A_437 = arith.constant 0 : i32
        %dma_wait3A_438 = arith.constant 0 : i32
        %dma_wait3A_439 = arith.constant 0 : i32
        %dma_wait3A_440 = arith.constant 0 : i32
        %dma_wait3A_441 = tpu.memref_slice %arg9[%dma_wait3A_437, %dma_wait3A_439, %dma_wait3A_440] : memref<2x200x64xf32, #tpu.memory_space<vmem>> -> memref<1x200x64xf32, #tpu.memory_space<vmem>>
        %dma_wait3A_442 = tpu.memref_squeeze %dma_wait3A_441 : memref<1x200x64xf32, #tpu.memory_space<vmem>> -> memref<200x64xf32, #tpu.memory_space<vmem>>
        %dma_wait3A_443 = arith.constant 0 : i32
        %dma_wait3A_444 = tpu.memref_slice %arg5[%mul3A_436, %dma_wait3A_443] : memref<819200x64xf32, #tpu.memory_space<hbm>> -> memref<200x64xf32, #tpu.memory_space<hbm>>
        %dma_wait3A_445 = tpu.memref_slice %arg13[%dma_wait3A_438] : memref<2x!tpu.dma_semaphore, #tpu.memory_space<semaphore_mem>> -> memref<1x!tpu.dma_semaphore, #tpu.memory_space<semaphore_mem>>
        %dma_wait3A_446 = tpu.memref_squeeze %dma_wait3A_445 : memref<1x!tpu.dma_semaphore, #tpu.memory_space<semaphore_mem>> -> memref<!tpu.dma_semaphore, #tpu.memory_space<semaphore_mem>>
        %dma_wait3A_447 = arith.constant 0 : i32
        %dma_wait3A_448 = tpu.memref_slice %arg5[%mul3A_436, %dma_wait3A_447] : memref<819200x64xf32, #tpu.memory_space<hbm>> -> memref<200x64xf32, #tpu.memory_space<hbm>>
        %dma_wait3A_449 = arith.constant 0 : i32
        %dma_wait3A_450 = arith.constant 0 : i32
        %dma_wait3A_451 = tpu.memref_slice %arg9[%dma_wait3A_437, %dma_wait3A_449, %dma_wait3A_450] : memref<2x200x64xf32, #tpu.memory_space<vmem>> -> memref<1x200x64xf32, #tpu.memory_space<vmem>>
        %dma_wait3A_452 = tpu.memref_squeeze %dma_wait3A_451 : memref<1x200x64xf32, #tpu.memory_space<vmem>> -> memref<200x64xf32, #tpu.memory_space<vmem>>
        tpu.wait_dma2 semaphore(%dma_wait3A_446 : memref<!tpu.dma_semaphore, #tpu.memory_space<semaphore_mem>>) src(%dma_wait3A_452 : memref<200x64xf32, #tpu.memory_space<vmem>>) dst(%dma_wait3A_448 : memref<200x64xf32, #tpu.memory_space<hbm>>)
      } else {
      }
      %scan3A_334 = arith.constant 0 : i32
      %scan3A_335 = arith.constant 0 : i32
      %scan3A_336 = arith.constant 200 : i32
      %scan3A_337 = arith.addi %scan3A_335, %scan3A_336 : i32
      %scan3A_338 = arith.constant 1 : i32
      scf.for %scan3A_433 = %scan3A_335 to %scan3A_337 step %scan3A_338  : i32 {
        %get3A = arith.constant 2 : i32
        %get3A_434 = arith.index_cast %get3A : i32 to index
        %get3A_435 = arith.index_cast %scan3A_433 : i32 to index
        %get3A_436 = arith.constant 0 : index
        %get3A_437 = tpu.vector_load %arg8[%get3A_434, %get3A_435, %get3A_436] {strides = array<i32>} : memref<4x200x64xf32, #tpu.memory_space<vmem>>, vector<1x1x16xf32>,
        %get3A_438 = vector.shape_cast %get3A_437 : vector<1x1x16xf32> to vector<16xf32>
        %mul3A_439 = arith.constant 8.000000e+00 : f32
        %mul3A_440 = vector.broadcast %mul3A_439 : f32 to vector<16xf32>
        %mul3A_441 = arith.mulf %get3A_438, %mul3A_440 : vector<16xf32>
        %get3A_442 = arith.index_cast %scan3A_433 : i32 to index
        %get3A_443 = arith.constant 0 : index
        %get3A_444 = tpu.vector_load %arg10[%get3A_442, %get3A_443] {strides = array<i32>} : memref<200x64xf32, #tpu.memory_space<vmem>>, vector<1x16xf32>,
        %get3A_445 = vector.shape_cast %get3A_444 : vector<1x16xf32> to vector<16xf32>
        %add3A_446 = arith.addf %mul3A_441, %get3A_445 : vector<16xf32>
        %swap3A = arith.constant 0 : i32
        %swap3A_447 = arith.index_cast %swap3A : i32 to index
        %swap3A_448 = arith.index_cast %scan3A_433 : i32 to index
        %swap3A_449 = arith.constant 0 : index
        %swap3A_450 = tpu.vector_load %arg9[%swap3A_447, %swap3A_448, %swap3A_449] {strides = array<i32>} : memref<2x200x64xf32, #tpu.memory_space<vmem>>, vector<1x1x16xf32>,
        %swap3A_451 = vector.shape_cast %swap3A_450 : vector<1x1x16xf32> to vector<16xf32>
        %swap3A_452 = vector.shape_cast %add3A_446 : vector<16xf32> to vector<1x1x16xf32>
        tpu.vector_store %arg9[%swap3A_447, %swap3A_448, %swap3A_449], %swap3A_452 {strides = array<i32>} : memref<2x200x64xf32, #tpu.memory_space<vmem>>, vector<1x1x16xf32>,
        %get3A_453 = arith.constant 2 : i32
        %get3A_454 = arith.index_cast %get3A_453 : i32 to index
        %get3A_455 = arith.index_cast %scan3A_433 : i32 to index
        %get3A_456 = arith.constant 16 : index
        %get3A_457 = tpu.vector_load %arg8[%get3A_454, %get3A_455, %get3A_456] {strides = array<i32>} : memref<4x200x64xf32, #tpu.memory_space<vmem>>, vector<1x1x16xf32>,
        %get3A_458 = vector.shape_cast %get3A_457 : vector<1x1x16xf32> to vector<16xf32>
        %mul3A_459 = arith.constant 8.000000e+00 : f32
        %mul3A_460 = vector.broadcast %mul3A_459 : f32 to vector<16xf32>
        %mul3A_461 = arith.mulf %get3A_458, %mul3A_460 : vector<16xf32>
        %get3A_462 = arith.index_cast %scan3A_433 : i32 to index
        %get3A_463 = arith.constant 16 : index
        %get3A_464 = tpu.vector_load %arg10[%get3A_462, %get3A_463] {strides = array<i32>} : memref<200x64xf32, #tpu.memory_space<vmem>>, vector<1x16xf32>,
        %get3A_465 = vector.shape_cast %get3A_464 : vector<1x16xf32> to vector<16xf32>
        %add3A_466 = arith.addf %mul3A_461, %get3A_465 : vector<16xf32>
        %swap3A_467 = arith.constant 0 : i32
        %swap3A_468 = arith.index_cast %swap3A_467 : i32 to index
        %swap3A_469 = arith.index_cast %scan3A_433 : i32 to index
        %swap3A_470 = arith.constant 16 : index
        %swap3A_471 = tpu.vector_load %arg9[%swap3A_468, %swap3A_469, %swap3A_470] {strides = array<i32>} : memref<2x200x64xf32, #tpu.memory_space<vmem>>, vector<1x1x16xf32>,
        %swap3A_472 = vector.shape_cast %swap3A_471 : vector<1x1x16xf32> to vector<16xf32>
        %swap3A_473 = vector.shape_cast %add3A_466 : vector<16xf32> to vector<1x1x16xf32>
        tpu.vector_store %arg9[%swap3A_468, %swap3A_469, %swap3A_470], %swap3A_473 {strides = array<i32>} : memref<2x200x64xf32, #tpu.memory_space<vmem>>, vector<1x1x16xf32>,
        %get3A_474 = arith.constant 2 : i32
        %get3A_475 = arith.index_cast %get3A_474 : i32 to index
        %get3A_476 = arith.index_cast %scan3A_433 : i32 to index
        %get3A_477 = arith.constant 32 : index
        %get3A_478 = tpu.vector_load %arg8[%get3A_475, %get3A_476, %get3A_477] {strides = array<i32>} : memref<4x200x64xf32, #tpu.memory_space<vmem>>, vector<1x1x16xf32>,
        %get3A_479 = vector.shape_cast %get3A_478 : vector<1x1x16xf32> to vector<16xf32>
        %mul3A_480 = arith.constant 8.000000e+00 : f32
        %mul3A_481 = vector.broadcast %mul3A_480 : f32 to vector<16xf32>
        %mul3A_482 = arith.mulf %get3A_479, %mul3A_481 : vector<16xf32>
        %get3A_483 = arith.index_cast %scan3A_433 : i32 to index
        %get3A_484 = arith.constant 32 : index
        %get3A_485 = tpu.vector_load %arg10[%get3A_483, %get3A_484] {strides = array<i32>} : memref<200x64xf32, #tpu.memory_space<vmem>>, vector<1x16xf32>,
        %get3A_486 = vector.shape_cast %get3A_485 : vector<1x16xf32> to vector<16xf32>
        %add3A_487 = arith.addf %mul3A_482, %get3A_486 : vector<16xf32>
        %swap3A_488 = arith.constant 0 : i32
        %swap3A_489 = arith.index_cast %swap3A_488 : i32 to index
        %swap3A_490 = arith.index_cast %scan3A_433 : i32 to index
        %swap3A_491 = arith.constant 32 : index
        %swap3A_492 = tpu.vector_load %arg9[%swap3A_489, %swap3A_490, %swap3A_491] {strides = array<i32>} : memref<2x200x64xf32, #tpu.memory_space<vmem>>, vector<1x1x16xf32>,
        %swap3A_493 = vector.shape_cast %swap3A_492 : vector<1x1x16xf32> to vector<16xf32>
        %swap3A_494 = vector.shape_cast %add3A_487 : vector<16xf32> to vector<1x1x16xf32>
        tpu.vector_store %arg9[%swap3A_489, %swap3A_490, %swap3A_491], %swap3A_494 {strides = array<i32>} : memref<2x200x64xf32, #tpu.memory_space<vmem>>, vector<1x1x16xf32>,
        %get3A_495 = arith.constant 2 : i32
        %get3A_496 = arith.index_cast %get3A_495 : i32 to index
        %get3A_497 = arith.index_cast %scan3A_433 : i32 to index
        %get3A_498 = arith.constant 48 : index
        %get3A_499 = tpu.vector_load %arg8[%get3A_496, %get3A_497, %get3A_498] {strides = array<i32>} : memref<4x200x64xf32, #tpu.memory_space<vmem>>, vector<1x1x16xf32>,
        %get3A_500 = vector.shape_cast %get3A_499 : vector<1x1x16xf32> to vector<16xf32>
        %mul3A_501 = arith.constant 8.000000e+00 : f32
        %mul3A_502 = vector.broadcast %mul3A_501 : f32 to vector<16xf32>
        %mul3A_503 = arith.mulf %get3A_500, %mul3A_502 : vector<16xf32>
        %get3A_504 = arith.index_cast %scan3A_433 : i32 to index
        %get3A_505 = arith.constant 48 : index
        %get3A_506 = tpu.vector_load %arg10[%get3A_504, %get3A_505] {strides = array<i32>} : memref<200x64xf32, #tpu.memory_space<vmem>>, vector<1x16xf32>,
        %get3A_507 = vector.shape_cast %get3A_506 : vector<1x16xf32> to vector<16xf32>
        %add3A_508 = arith.addf %mul3A_503, %get3A_507 : vector<16xf32>
        %swap3A_509 = arith.constant 0 : i32
        %swap3A_510 = arith.index_cast %swap3A_509 : i32 to index
        %swap3A_511 = arith.index_cast %scan3A_433 : i32 to index
        %swap3A_512 = arith.constant 48 : index
        %swap3A_513 = tpu.vector_load %arg9[%swap3A_510, %swap3A_511, %swap3A_512] {strides = array<i32>} : memref<2x200x64xf32, #tpu.memory_space<vmem>>, vector<1x1x16xf32>,
        %swap3A_514 = vector.shape_cast %swap3A_513 : vector<1x1x16xf32> to vector<16xf32>
        %swap3A_515 = vector.shape_cast %add3A_508 : vector<16xf32> to vector<1x1x16xf32>
        tpu.vector_store %arg9[%swap3A_510, %swap3A_511, %swap3A_512], %swap3A_515 {strides = array<i32>} : memref<2x200x64xf32, #tpu.memory_space<vmem>>, vector<1x1x16xf32>,
      }
      %scan3A_339 = arith.constant 200 : i32
      %add3A_340 = arith.addi %mul3A_2, %add3A_300 : i32
      %mul3A_341 = arith.constant 200 : i32
      %mul3A_342 = arith.muli %add3A_340, %mul3A_341 : i32
      %dma_start3A_343 = arith.constant 0 : i32
      %dma_start3A_344 = arith.constant 0 : i32
      %dma_start3A_345 = arith.constant 0 : i32
      %dma_start3A_346 = arith.constant 0 : i32
      %dma_start3A_347 = tpu.memref_slice %arg9[%dma_start3A_343, %dma_start3A_345, %dma_start3A_346] : memref<2x200x64xf32, #tpu.memory_space<vmem>> -> memref<1x200x64xf32, #tpu.memory_space<vmem>>
      %dma_start3A_348 = tpu.memref_squeeze %dma_start3A_347 : memref<1x200x64xf32, #tpu.memory_space<vmem>> -> memref<200x64xf32, #tpu.memory_space<vmem>>
      %dma_start3A_349 = arith.constant 0 : i32
      %dma_start3A_350 = tpu.memref_slice %arg5[%mul3A_342, %dma_start3A_349] : memref<819200x64xf32, #tpu.memory_space<hbm>> -> memref<200x64xf32, #tpu.memory_space<hbm>>
      %dma_start3A_351 = tpu.memref_slice %arg13[%dma_start3A_344] : memref<2x!tpu.dma_semaphore, #tpu.memory_space<semaphore_mem>> -> memref<1x!tpu.dma_semaphore, #tpu.memory_space<semaphore_mem>>
      %dma_start3A_352 = tpu.memref_squeeze %dma_start3A_351 : memref<1x!tpu.dma_semaphore, #tpu.memory_space<semaphore_mem>> -> memref<!tpu.dma_semaphore, #tpu.memory_space<semaphore_mem>>
      %dma_start3A_353 = arith.constant 0 : i32
      %dma_start3A_354 = tpu.memref_slice %arg5[%mul3A_342, %dma_start3A_353] : memref<819200x64xf32, #tpu.memory_space<hbm>> -> memref<200x64xf32, #tpu.memory_space<hbm>>
      %dma_start3A_355 = arith.constant 0 : i32
      %dma_start3A_356 = arith.constant 0 : i32
      %dma_start3A_357 = tpu.memref_slice %arg9[%dma_start3A_343, %dma_start3A_355, %dma_start3A_356] : memref<2x200x64xf32, #tpu.memory_space<vmem>> -> memref<1x200x64xf32, #tpu.memory_space<vmem>>
      %dma_start3A_358 = tpu.memref_squeeze %dma_start3A_357 : memref<1x200x64xf32, #tpu.memory_space<vmem>> -> memref<200x64xf32, #tpu.memory_space<vmem>>
      tpu.enqueue_dma source(%dma_start3A_358 : memref<200x64xf32, #tpu.memory_space<vmem>>) target(%dma_start3A_354 : memref<200x64xf32, #tpu.memory_space<hbm>>) target_semaphore(%dma_start3A_352 : memref<!tpu.dma_semaphore, #tpu.memory_space<semaphore_mem>>)
      %add3A_359 = arith.constant 4 : i32
      %add3A_360 = arith.addi %add3A_300, %add3A_359 : i32
      %lt3A_361 = arith.constant 128 : i32
      %lt3A_362 = arith.cmpi slt, %add3A_360, %lt3A_361 : i32
      %convert_element_type3A_363 = arith.extui %lt3A_362 : i1 to i32
      %cond3A_364 = arith.constant 0 : i32
      %cond3A_365 = arith.cmpi ne, %convert_element_type3A_363, %cond3A_364 : i32
      scf.if %cond3A_365 {
        %add3A_433 = arith.constant 4 : i32
        %add3A_434 = arith.addi %add3A_300, %add3A_433 : i32
        %dma_start3A_435 = arith.constant 2 : i32
        %dma_start3A_436 = arith.constant 2 : i32
        %dma_start3A_437 = arith.constant 0 : i32
        %dma_start3A_438 = arith.constant 0 : i32
        %dma_start3A_439 = tpu.memref_slice %arg8[%dma_start3A_435, %dma_start3A_437, %dma_start3A_438] : memref<4x200x64xf32, #tpu.memory_space<vmem>> -> memref<1x120x64xf32, #tpu.memory_space<vmem>>
        %dma_start3A_440 = tpu.memref_squeeze %dma_start3A_439 : memref<1x120x64xf32, #tpu.memory_space<vmem>> -> memref<120x64xf32, #tpu.memory_space<vmem>>
        %dma_start3A_441 = arith.constant 0 : i32
        %dma_start3A_442 = tpu.memref_slice %arg6[%add3A_434, %dma_start3A_441] : memref<128x120xi32, #tpu.memory_space<vmem>> -> memref<1x120xi32, #tpu.memory_space<vmem>>
        %dma_start3A_443 = tpu.memref_squeeze %dma_start3A_442 : memref<1x120xi32, #tpu.memory_space<vmem>> -> memref<120xi32, #tpu.memory_space<vmem>>
        %dma_start3A_444 = arith.constant 0 : i32
        %dma_start3A_445 = arith.constant 0 : i32
        %dma_start3A_446 = tpu.memref_slice %arg2[%dma_start3A_444, %dma_start3A_445] : memref<1000000x64xf32, #tpu.memory_space<hbm>> -> memref<1000000x64xf32, #tpu.memory_space<hbm>>
        %dma_start3A_447 = tpu.memref_slice %arg11[%dma_start3A_436] : memref<4x!tpu.dma_semaphore, #tpu.memory_space<semaphore_mem>> -> memref<1x!tpu.dma_semaphore, #tpu.memory_space<semaphore_mem>>
        %dma_start3A_448 = tpu.memref_squeeze %dma_start3A_447 : memref<1x!tpu.dma_semaphore, #tpu.memory_space<semaphore_mem>> -> memref<!tpu.dma_semaphore, #tpu.memory_space<semaphore_mem>>
        tpu.enqueue_indirect_dma source(%dma_start3A_446 : memref<1000000x64xf32, #tpu.memory_space<hbm>>) target(%dma_start3A_440 : memref<120x64xf32, #tpu.memory_space<vmem>>) offsets(%dma_start3A_443 : memref<120xi32, #tpu.memory_space<vmem>>) semaphore(%dma_start3A_448 : memref<!tpu.dma_semaphore, #tpu.memory_space<semaphore_mem>>)
        %add3A_449 = arith.constant 4 : i32
        %add3A_450 = arith.addi %add3A_300, %add3A_449 : i32
        %dma_start3A_451 = arith.constant 2 : i32
        %dma_start3A_452 = arith.constant 2 : i32
        %dma_start3A_453 = arith.constant 120 : i32
        %dma_start3A_454 = arith.constant 0 : i32
        %dma_start3A_455 = tpu.memref_slice %arg8[%dma_start3A_451, %dma_start3A_453, %dma_start3A_454] : memref<4x200x64xf32, #tpu.memory_space<vmem>> -> memref<1x80x64xf32, #tpu.memory_space<vmem>>
        %dma_start3A_456 = tpu.memref_squeeze %dma_start3A_455 : memref<1x80x64xf32, #tpu.memory_space<vmem>> -> memref<80x64xf32, #tpu.memory_space<vmem>>
        %dma_start3A_457 = arith.constant 0 : i32
        %dma_start3A_458 = tpu.memref_slice %arg7[%add3A_450, %dma_start3A_457] : memref<128x80xi32, #tpu.memory_space<vmem>> -> memref<1x80xi32, #tpu.memory_space<vmem>>
        %dma_start3A_459 = tpu.memref_squeeze %dma_start3A_458 : memref<1x80xi32, #tpu.memory_space<vmem>> -> memref<80xi32, #tpu.memory_space<vmem>>
        %dma_start3A_460 = arith.constant 0 : i32
        %dma_start3A_461 = arith.constant 0 : i32
        %dma_start3A_462 = tpu.memref_slice %arg2[%dma_start3A_460, %dma_start3A_461] : memref<1000000x64xf32, #tpu.memory_space<hbm>> -> memref<1000000x64xf32, #tpu.memory_space<hbm>>
        %dma_start3A_463 = tpu.memref_slice %arg12[%dma_start3A_452] : memref<4x!tpu.dma_semaphore, #tpu.memory_space<semaphore_mem>> -> memref<1x!tpu.dma_semaphore, #tpu.memory_space<semaphore_mem>>
        %dma_start3A_464 = tpu.memref_squeeze %dma_start3A_463 : memref<1x!tpu.dma_semaphore, #tpu.memory_space<semaphore_mem>> -> memref<!tpu.dma_semaphore, #tpu.memory_space<semaphore_mem>>
        tpu.enqueue_indirect_dma source(%dma_start3A_462 : memref<1000000x64xf32, #tpu.memory_space<hbm>>) target(%dma_start3A_456 : memref<80x64xf32, #tpu.memory_space<vmem>>) offsets(%dma_start3A_459 : memref<80xi32, #tpu.memory_space<vmem>>) semaphore(%dma_start3A_464 : memref<!tpu.dma_semaphore, #tpu.memory_space<semaphore_mem>>)
      } else {
      }
      %add3A_366 = arith.constant 3 : i32
      %add3A_367 = arith.addi %mul3A_168, %add3A_366 : i32
      %dma_wait3A_368 = arith.constant 3 : i32
      %dma_wait3A_369 = arith.constant 3 : i32
      %dma_wait3A_370 = arith.constant 0 : i32
      %dma_wait3A_371 = arith.constant 0 : i32
      %dma_wait3A_372 = tpu.memref_slice %arg8[%dma_wait3A_368, %dma_wait3A_370, %dma_wait3A_371] : memref<4x200x64xf32, #tpu.memory_space<vmem>> -> memref<1x120x64xf32, #tpu.memory_space<vmem>>
      %dma_wait3A_373 = tpu.memref_squeeze %dma_wait3A_372 : memref<1x120x64xf32, #tpu.memory_space<vmem>> -> memref<120x64xf32, #tpu.memory_space<vmem>>
      %dma_wait3A_374 = arith.constant 0 : i32
      %dma_wait3A_375 = tpu.memref_slice %arg6[%add3A_367, %dma_wait3A_374] : memref<128x120xi32, #tpu.memory_space<vmem>> -> memref<1x120xi32, #tpu.memory_space<vmem>>
      %dma_wait3A_376 = tpu.memref_squeeze %dma_wait3A_375 : memref<1x120xi32, #tpu.memory_space<vmem>> -> memref<120xi32, #tpu.memory_space<vmem>>
      %dma_wait3A_377 = arith.constant 0 : i32
      %dma_wait3A_378 = arith.constant 0 : i32
      %dma_wait3A_379 = tpu.memref_slice %arg2[%dma_wait3A_377, %dma_wait3A_378] : memref<1000000x64xf32, #tpu.memory_space<hbm>> -> memref<1000000x64xf32, #tpu.memory_space<hbm>>
      %dma_wait3A_380 = tpu.memref_slice %arg11[%dma_wait3A_369] : memref<4x!tpu.dma_semaphore, #tpu.memory_space<semaphore_mem>> -> memref<1x!tpu.dma_semaphore, #tpu.memory_space<semaphore_mem>>
      %dma_wait3A_381 = tpu.memref_squeeze %dma_wait3A_380 : memref<1x!tpu.dma_semaphore, #tpu.memory_space<semaphore_mem>> -> memref<!tpu.dma_semaphore, #tpu.memory_space<semaphore_mem>>
      tpu.wait_indirect_dma semaphore(%dma_wait3A_381 : memref<!tpu.dma_semaphore, #tpu.memory_space<semaphore_mem>>) src(%dma_wait3A_379 : memref<1000000x64xf32, #tpu.memory_space<hbm>>) dst(%dma_wait3A_373 : memref<120x64xf32, #tpu.memory_space<vmem>>)
      %dma_wait3A_382 = arith.constant 3 : i32
      %dma_wait3A_383 = arith.constant 3 : i32
      %dma_wait3A_384 = arith.constant 120 : i32
      %dma_wait3A_385 = arith.constant 0 : i32
      %dma_wait3A_386 = tpu.memref_slice %arg8[%dma_wait3A_382, %dma_wait3A_384, %dma_wait3A_385] : memref<4x200x64xf32, #tpu.memory_space<vmem>> -> memref<1x80x64xf32, #tpu.memory_space<vmem>>
      %dma_wait3A_387 = tpu.memref_squeeze %dma_wait3A_386 : memref<1x80x64xf32, #tpu.memory_space<vmem>> -> memref<80x64xf32, #tpu.memory_space<vmem>>
      %dma_wait3A_388 = arith.constant 0 : i32
      %dma_wait3A_389 = tpu.memref_slice %arg7[%add3A_367, %dma_wait3A_388] : memref<128x80xi32, #tpu.memory_space<vmem>> -> memref<1x80xi32, #tpu.memory_space<vmem>>
      %dma_wait3A_390 = tpu.memref_squeeze %dma_wait3A_389 : memref<1x80xi32, #tpu.memory_space<vmem>> -> memref<80xi32, #tpu.memory_space<vmem>>
      %dma_wait3A_391 = arith.constant 0 : i32
      %dma_wait3A_392 = arith.constant 0 : i32
      %dma_wait3A_393 = tpu.memref_slice %arg2[%dma_wait3A_391, %dma_wait3A_392] : memref<1000000x64xf32, #tpu.memory_space<hbm>> -> memref<1000000x64xf32, #tpu.memory_space<hbm>>
      %dma_wait3A_394 = tpu.memref_slice %arg12[%dma_wait3A_383] : memref<4x!tpu.dma_semaphore, #tpu.memory_space<semaphore_mem>> -> memref<1x!tpu.dma_semaphore, #tpu.memory_space<semaphore_mem>>
      %dma_wait3A_395 = tpu.memref_squeeze %dma_wait3A_394 : memref<1x!tpu.dma_semaphore, #tpu.memory_space<semaphore_mem>> -> memref<!tpu.dma_semaphore, #tpu.memory_space<semaphore_mem>>
      tpu.wait_indirect_dma semaphore(%dma_wait3A_395 : memref<!tpu.dma_semaphore, #tpu.memory_space<semaphore_mem>>) src(%dma_wait3A_393 : memref<1000000x64xf32, #tpu.memory_space<hbm>>) dst(%dma_wait3A_387 : memref<80x64xf32, #tpu.memory_space<vmem>>)
      %ge3A_396 = arith.constant 2 : i32
      %ge3A_397 = arith.cmpi sge, %add3A_367, %ge3A_396 : i32
      %convert_element_type3A_398 = arith.extui %ge3A_397 : i1 to i32
      %cond3A_399 = arith.constant 0 : i32
      %cond3A_400 = arith.cmpi ne, %convert_element_type3A_398, %cond3A_399 : i32
      scf.if %cond3A_400 {
        %sub3A = arith.constant 2 : i32
        %sub3A_433 = arith.subi %add3A_367, %sub3A : i32
        %add3A_434 = arith.addi %mul3A_2, %sub3A_433 : i32
        %mul3A_435 = arith.constant 200 : i32
        %mul3A_436 = arith.muli %add3A_434, %mul3A_435 : i32
        %dma_wait3A_437 = arith.constant 1 : i32
        %dma_wait3A_438 = arith.constant 1 : i32
        %dma_wait3A_439 = arith.constant 0 : i32
        %dma_wait3A_440 = arith.constant 0 : i32
        %dma_wait3A_441 = tpu.memref_slice %arg9[%dma_wait3A_437, %dma_wait3A_439, %dma_wait3A_440] : memref<2x200x64xf32, #tpu.memory_space<vmem>> -> memref<1x200x64xf32, #tpu.memory_space<vmem>>
        %dma_wait3A_442 = tpu.memref_squeeze %dma_wait3A_441 : memref<1x200x64xf32, #tpu.memory_space<vmem>> -> memref<200x64xf32, #tpu.memory_space<vmem>>
        %dma_wait3A_443 = arith.constant 0 : i32
        %dma_wait3A_444 = tpu.memref_slice %arg5[%mul3A_436, %dma_wait3A_443] : memref<819200x64xf32, #tpu.memory_space<hbm>> -> memref<200x64xf32, #tpu.memory_space<hbm>>
        %dma_wait3A_445 = tpu.memref_slice %arg13[%dma_wait3A_438] : memref<2x!tpu.dma_semaphore, #tpu.memory_space<semaphore_mem>> -> memref<1x!tpu.dma_semaphore, #tpu.memory_space<semaphore_mem>>
        %dma_wait3A_446 = tpu.memref_squeeze %dma_wait3A_445 : memref<1x!tpu.dma_semaphore, #tpu.memory_space<semaphore_mem>> -> memref<!tpu.dma_semaphore, #tpu.memory_space<semaphore_mem>>
        %dma_wait3A_447 = arith.constant 0 : i32
        %dma_wait3A_448 = tpu.memref_slice %arg5[%mul3A_436, %dma_wait3A_447] : memref<819200x64xf32, #tpu.memory_space<hbm>> -> memref<200x64xf32, #tpu.memory_space<hbm>>
        %dma_wait3A_449 = arith.constant 0 : i32
        %dma_wait3A_450 = arith.constant 0 : i32
        %dma_wait3A_451 = tpu.memref_slice %arg9[%dma_wait3A_437, %dma_wait3A_449, %dma_wait3A_450] : memref<2x200x64xf32, #tpu.memory_space<vmem>> -> memref<1x200x64xf32, #tpu.memory_space<vmem>>
        %dma_wait3A_452 = tpu.memref_squeeze %dma_wait3A_451 : memref<1x200x64xf32, #tpu.memory_space<vmem>> -> memref<200x64xf32, #tpu.memory_space<vmem>>
        tpu.wait_dma2 semaphore(%dma_wait3A_446 : memref<!tpu.dma_semaphore, #tpu.memory_space<semaphore_mem>>) src(%dma_wait3A_452 : memref<200x64xf32, #tpu.memory_space<vmem>>) dst(%dma_wait3A_448 : memref<200x64xf32, #tpu.memory_space<hbm>>)
      } else {
      }
      %scan3A_401 = arith.constant 0 : i32
      %scan3A_402 = arith.constant 0 : i32
      %scan3A_403 = arith.constant 200 : i32
      %scan3A_404 = arith.addi %scan3A_402, %scan3A_403 : i32
      %scan3A_405 = arith.constant 1 : i32
      scf.for %scan3A_433 = %scan3A_402 to %scan3A_404 step %scan3A_405  : i32 {
        %get3A = arith.constant 3 : i32
        %get3A_434 = arith.index_cast %get3A : i32 to index
        %get3A_435 = arith.index_cast %scan3A_433 : i32 to index
        %get3A_436 = arith.constant 0 : index
        %get3A_437 = tpu.vector_load %arg8[%get3A_434, %get3A_435, %get3A_436] {strides = array<i32>} : memref<4x200x64xf32, #tpu.memory_space<vmem>>, vector<1x1x16xf32>,
        %get3A_438 = vector.shape_cast %get3A_437 : vector<1x1x16xf32> to vector<16xf32>
        %mul3A_439 = arith.constant 8.000000e+00 : f32
        %mul3A_440 = vector.broadcast %mul3A_439 : f32 to vector<16xf32>
        %mul3A_441 = arith.mulf %get3A_438, %mul3A_440 : vector<16xf32>
        %get3A_442 = arith.index_cast %scan3A_433 : i32 to index
        %get3A_443 = arith.constant 0 : index
        %get3A_444 = tpu.vector_load %arg10[%get3A_442, %get3A_443] {strides = array<i32>} : memref<200x64xf32, #tpu.memory_space<vmem>>, vector<1x16xf32>,
        %get3A_445 = vector.shape_cast %get3A_444 : vector<1x16xf32> to vector<16xf32>
        %add3A_446 = arith.addf %mul3A_441, %get3A_445 : vector<16xf32>
        %swap3A = arith.constant 1 : i32
        %swap3A_447 = arith.index_cast %swap3A : i32 to index
        %swap3A_448 = arith.index_cast %scan3A_433 : i32 to index
        %swap3A_449 = arith.constant 0 : index
        %swap3A_450 = tpu.vector_load %arg9[%swap3A_447, %swap3A_448, %swap3A_449] {strides = array<i32>} : memref<2x200x64xf32, #tpu.memory_space<vmem>>, vector<1x1x16xf32>,
        %swap3A_451 = vector.shape_cast %swap3A_450 : vector<1x1x16xf32> to vector<16xf32>
        %swap3A_452 = vector.shape_cast %add3A_446 : vector<16xf32> to vector<1x1x16xf32>
        tpu.vector_store %arg9[%swap3A_447, %swap3A_448, %swap3A_449], %swap3A_452 {strides = array<i32>} : memref<2x200x64xf32, #tpu.memory_space<vmem>>, vector<1x1x16xf32>,
        %get3A_453 = arith.constant 3 : i32
        %get3A_454 = arith.index_cast %get3A_453 : i32 to index
        %get3A_455 = arith.index_cast %scan3A_433 : i32 to index
        %get3A_456 = arith.constant 16 : index
        %get3A_457 = tpu.vector_load %arg8[%get3A_454, %get3A_455, %get3A_456] {strides = array<i32>} : memref<4x200x64xf32, #tpu.memory_space<vmem>>, vector<1x1x16xf32>,
        %get3A_458 = vector.shape_cast %get3A_457 : vector<1x1x16xf32> to vector<16xf32>
        %mul3A_459 = arith.constant 8.000000e+00 : f32
        %mul3A_460 = vector.broadcast %mul3A_459 : f32 to vector<16xf32>
        %mul3A_461 = arith.mulf %get3A_458, %mul3A_460 : vector<16xf32>
        %get3A_462 = arith.index_cast %scan3A_433 : i32 to index
        %get3A_463 = arith.constant 16 : index
        %get3A_464 = tpu.vector_load %arg10[%get3A_462, %get3A_463] {strides = array<i32>} : memref<200x64xf32, #tpu.memory_space<vmem>>, vector<1x16xf32>,
        %get3A_465 = vector.shape_cast %get3A_464 : vector<1x16xf32> to vector<16xf32>
        %add3A_466 = arith.addf %mul3A_461, %get3A_465 : vector<16xf32>
        %swap3A_467 = arith.constant 1 : i32
        %swap3A_468 = arith.index_cast %swap3A_467 : i32 to index
        %swap3A_469 = arith.index_cast %scan3A_433 : i32 to index
        %swap3A_470 = arith.constant 16 : index
        %swap3A_471 = tpu.vector_load %arg9[%swap3A_468, %swap3A_469, %swap3A_470] {strides = array<i32>} : memref<2x200x64xf32, #tpu.memory_space<vmem>>, vector<1x1x16xf32>,
        %swap3A_472 = vector.shape_cast %swap3A_471 : vector<1x1x16xf32> to vector<16xf32>
        %swap3A_473 = vector.shape_cast %add3A_466 : vector<16xf32> to vector<1x1x16xf32>
        tpu.vector_store %arg9[%swap3A_468, %swap3A_469, %swap3A_470], %swap3A_473 {strides = array<i32>} : memref<2x200x64xf32, #tpu.memory_space<vmem>>, vector<1x1x16xf32>,
        %get3A_474 = arith.constant 3 : i32
        %get3A_475 = arith.index_cast %get3A_474 : i32 to index
        %get3A_476 = arith.index_cast %scan3A_433 : i32 to index
        %get3A_477 = arith.constant 32 : index
        %get3A_478 = tpu.vector_load %arg8[%get3A_475, %get3A_476, %get3A_477] {strides = array<i32>} : memref<4x200x64xf32, #tpu.memory_space<vmem>>, vector<1x1x16xf32>,
        %get3A_479 = vector.shape_cast %get3A_478 : vector<1x1x16xf32> to vector<16xf32>
        %mul3A_480 = arith.constant 8.000000e+00 : f32
        %mul3A_481 = vector.broadcast %mul3A_480 : f32 to vector<16xf32>
        %mul3A_482 = arith.mulf %get3A_479, %mul3A_481 : vector<16xf32>
        %get3A_483 = arith.index_cast %scan3A_433 : i32 to index
        %get3A_484 = arith.constant 32 : index
        %get3A_485 = tpu.vector_load %arg10[%get3A_483, %get3A_484] {strides = array<i32>} : memref<200x64xf32, #tpu.memory_space<vmem>>, vector<1x16xf32>,
        %get3A_486 = vector.shape_cast %get3A_485 : vector<1x16xf32> to vector<16xf32>
        %add3A_487 = arith.addf %mul3A_482, %get3A_486 : vector<16xf32>
        %swap3A_488 = arith.constant 1 : i32
        %swap3A_489 = arith.index_cast %swap3A_488 : i32 to index
        %swap3A_490 = arith.index_cast %scan3A_433 : i32 to index
        %swap3A_491 = arith.constant 32 : index
        %swap3A_492 = tpu.vector_load %arg9[%swap3A_489, %swap3A_490, %swap3A_491] {strides = array<i32>} : memref<2x200x64xf32, #tpu.memory_space<vmem>>, vector<1x1x16xf32>,
        %swap3A_493 = vector.shape_cast %swap3A_492 : vector<1x1x16xf32> to vector<16xf32>
        %swap3A_494 = vector.shape_cast %add3A_487 : vector<16xf32> to vector<1x1x16xf32>
        tpu.vector_store %arg9[%swap3A_489, %swap3A_490, %swap3A_491], %swap3A_494 {strides = array<i32>} : memref<2x200x64xf32, #tpu.memory_space<vmem>>, vector<1x1x16xf32>,
        %get3A_495 = arith.constant 3 : i32
        %get3A_496 = arith.index_cast %get3A_495 : i32 to index
        %get3A_497 = arith.index_cast %scan3A_433 : i32 to index
        %get3A_498 = arith.constant 48 : index
        %get3A_499 = tpu.vector_load %arg8[%get3A_496, %get3A_497, %get3A_498] {strides = array<i32>} : memref<4x200x64xf32, #tpu.memory_space<vmem>>, vector<1x1x16xf32>,
        %get3A_500 = vector.shape_cast %get3A_499 : vector<1x1x16xf32> to vector<16xf32>
        %mul3A_501 = arith.constant 8.000000e+00 : f32
        %mul3A_502 = vector.broadcast %mul3A_501 : f32 to vector<16xf32>
        %mul3A_503 = arith.mulf %get3A_500, %mul3A_502 : vector<16xf32>
        %get3A_504 = arith.index_cast %scan3A_433 : i32 to index
        %get3A_505 = arith.constant 48 : index
        %get3A_506 = tpu.vector_load %arg10[%get3A_504, %get3A_505] {strides = array<i32>} : memref<200x64xf32, #tpu.memory_space<vmem>>, vector<1x16xf32>,
        %get3A_507 = vector.shape_cast %get3A_506 : vector<1x16xf32> to vector<16xf32>
        %add3A_508 = arith.addf %mul3A_503, %get3A_507 : vector<16xf32>
        %swap3A_509 = arith.constant 1 : i32
        %swap3A_510 = arith.index_cast %swap3A_509 : i32 to index
        %swap3A_511 = arith.index_cast %scan3A_433 : i32 to index
        %swap3A_512 = arith.constant 48 : index
        %swap3A_513 = tpu.vector_load %arg9[%swap3A_510, %swap3A_511, %swap3A_512] {strides = array<i32>} : memref<2x200x64xf32, #tpu.memory_space<vmem>>, vector<1x1x16xf32>,
        %swap3A_514 = vector.shape_cast %swap3A_513 : vector<1x1x16xf32> to vector<16xf32>
        %swap3A_515 = vector.shape_cast %add3A_508 : vector<16xf32> to vector<1x1x16xf32>
        tpu.vector_store %arg9[%swap3A_510, %swap3A_511, %swap3A_512], %swap3A_515 {strides = array<i32>} : memref<2x200x64xf32, #tpu.memory_space<vmem>>, vector<1x1x16xf32>,
      }
      %scan3A_406 = arith.constant 200 : i32
      %add3A_407 = arith.addi %mul3A_2, %add3A_367 : i32
      %mul3A_408 = arith.constant 200 : i32
      %mul3A_409 = arith.muli %add3A_407, %mul3A_408 : i32
      %dma_start3A_410 = arith.constant 1 : i32
      %dma_start3A_411 = arith.constant 1 : i32
      %dma_start3A_412 = arith.constant 0 : i32
      %dma_start3A_413 = arith.constant 0 : i32
      %dma_start3A_414 = tpu.memref_slice %arg9[%dma_start3A_410, %dma_start3A_412, %dma_start3A_413] : memref<2x200x64xf32, #tpu.memory_space<vmem>> -> memref<1x200x64xf32, #tpu.memory_space<vmem>>
      %dma_start3A_415 = tpu.memref_squeeze %dma_start3A_414 : memref<1x200x64xf32, #tpu.memory_space<vmem>> -> memref<200x64xf32, #tpu.memory_space<vmem>>
      %dma_start3A_416 = arith.constant 0 : i32
      %dma_start3A_417 = tpu.memref_slice %arg5[%mul3A_409, %dma_start3A_416] : memref<819200x64xf32, #tpu.memory_space<hbm>> -> memref<200x64xf32, #tpu.memory_space<hbm>>
      %dma_start3A_418 = tpu.memref_slice %arg13[%dma_start3A_411] : memref<2x!tpu.dma_semaphore, #tpu.memory_space<semaphore_mem>> -> memref<1x!tpu.dma_semaphore, #tpu.memory_space<semaphore_mem>>
      %dma_start3A_419 = tpu.memref_squeeze %dma_start3A_418 : memref<1x!tpu.dma_semaphore, #tpu.memory_space<semaphore_mem>> -> memref<!tpu.dma_semaphore, #tpu.memory_space<semaphore_mem>>
      %dma_start3A_420 = arith.constant 0 : i32
      %dma_start3A_421 = tpu.memref_slice %arg5[%mul3A_409, %dma_start3A_420] : memref<819200x64xf32, #tpu.memory_space<hbm>> -> memref<200x64xf32, #tpu.memory_space<hbm>>
      %dma_start3A_422 = arith.constant 0 : i32
      %dma_start3A_423 = arith.constant 0 : i32
      %dma_start3A_424 = tpu.memref_slice %arg9[%dma_start3A_410, %dma_start3A_422, %dma_start3A_423] : memref<2x200x64xf32, #tpu.memory_space<vmem>> -> memref<1x200x64xf32, #tpu.memory_space<vmem>>
      %dma_start3A_425 = tpu.memref_squeeze %dma_start3A_424 : memref<1x200x64xf32, #tpu.memory_space<vmem>> -> memref<200x64xf32, #tpu.memory_space<vmem>>
      tpu.enqueue_dma source(%dma_start3A_425 : memref<200x64xf32, #tpu.memory_space<vmem>>) target(%dma_start3A_421 : memref<200x64xf32, #tpu.memory_space<hbm>>) target_semaphore(%dma_start3A_419 : memref<!tpu.dma_semaphore, #tpu.memory_space<semaphore_mem>>)
      %add3A_426 = arith.constant 4 : i32
      %add3A_427 = arith.addi %add3A_367, %add3A_426 : i32
      %lt3A_428 = arith.constant 128 : i32
      %lt3A_429 = arith.cmpi slt, %add3A_427, %lt3A_428 : i32
      %convert_element_type3A_430 = arith.extui %lt3A_429 : i1 to i32
      %cond3A_431 = arith.constant 0 : i32
      %cond3A_432 = arith.cmpi ne, %convert_element_type3A_430, %cond3A_431 : i32
      scf.if %cond3A_432 {
        %add3A_433 = arith.constant 4 : i32
        %add3A_434 = arith.addi %add3A_367, %add3A_433 : i32
        %dma_start3A_435 = arith.constant 3 : i32
        %dma_start3A_436 = arith.constant 3 : i32
        %dma_start3A_437 = arith.constant 0 : i32
        %dma_start3A_438 = arith.constant 0 : i32
        %dma_start3A_439 = tpu.memref_slice %arg8[%dma_start3A_435, %dma_start3A_437, %dma_start3A_438] : memref<4x200x64xf32, #tpu.memory_space<vmem>> -> memref<1x120x64xf32, #tpu.memory_space<vmem>>
        %dma_start3A_440 = tpu.memref_squeeze %dma_start3A_439 : memref<1x120x64xf32, #tpu.memory_space<vmem>> -> memref<120x64xf32, #tpu.memory_space<vmem>>
        %dma_start3A_441 = arith.constant 0 : i32
        %dma_start3A_442 = tpu.memref_slice %arg6[%add3A_434, %dma_start3A_441] : memref<128x120xi32, #tpu.memory_space<vmem>> -> memref<1x120xi32, #tpu.memory_space<vmem>>
        %dma_start3A_443 = tpu.memref_squeeze %dma_start3A_442 : memref<1x120xi32, #tpu.memory_space<vmem>> -> memref<120xi32, #tpu.memory_space<vmem>>
        %dma_start3A_444 = arith.constant 0 : i32
        %dma_start3A_445 = arith.constant 0 : i32
        %dma_start3A_446 = tpu.memref_slice %arg2[%dma_start3A_444, %dma_start3A_445] : memref<1000000x64xf32, #tpu.memory_space<hbm>> -> memref<1000000x64xf32, #tpu.memory_space<hbm>>
        %dma_start3A_447 = tpu.memref_slice %arg11[%dma_start3A_436] : memref<4x!tpu.dma_semaphore, #tpu.memory_space<semaphore_mem>> -> memref<1x!tpu.dma_semaphore, #tpu.memory_space<semaphore_mem>>
        %dma_start3A_448 = tpu.memref_squeeze %dma_start3A_447 : memref<1x!tpu.dma_semaphore, #tpu.memory_space<semaphore_mem>> -> memref<!tpu.dma_semaphore, #tpu.memory_space<semaphore_mem>>
        tpu.enqueue_indirect_dma source(%dma_start3A_446 : memref<1000000x64xf32, #tpu.memory_space<hbm>>) target(%dma_start3A_440 : memref<120x64xf32, #tpu.memory_space<vmem>>) offsets(%dma_start3A_443 : memref<120xi32, #tpu.memory_space<vmem>>) semaphore(%dma_start3A_448 : memref<!tpu.dma_semaphore, #tpu.memory_space<semaphore_mem>>)
        %add3A_449 = arith.constant 4 : i32
        %add3A_450 = arith.addi %add3A_367, %add3A_449 : i32
        %dma_start3A_451 = arith.constant 3 : i32
        %dma_start3A_452 = arith.constant 3 : i32
        %dma_start3A_453 = arith.constant 120 : i32
        %dma_start3A_454 = arith.constant 0 : i32
        %dma_start3A_455 = tpu.memref_slice %arg8[%dma_start3A_451, %dma_start3A_453, %dma_start3A_454] : memref<4x200x64xf32, #tpu.memory_space<vmem>> -> memref<1x80x64xf32, #tpu.memory_space<vmem>>
        %dma_start3A_456 = tpu.memref_squeeze %dma_start3A_455 : memref<1x80x64xf32, #tpu.memory_space<vmem>> -> memref<80x64xf32, #tpu.memory_space<vmem>>
        %dma_start3A_457 = arith.constant 0 : i32
        %dma_start3A_458 = tpu.memref_slice %arg7[%add3A_450, %dma_start3A_457] : memref<128x80xi32, #tpu.memory_space<vmem>> -> memref<1x80xi32, #tpu.memory_space<vmem>>
        %dma_start3A_459 = tpu.memref_squeeze %dma_start3A_458 : memref<1x80xi32, #tpu.memory_space<vmem>> -> memref<80xi32, #tpu.memory_space<vmem>>
        %dma_start3A_460 = arith.constant 0 : i32
        %dma_start3A_461 = arith.constant 0 : i32
        %dma_start3A_462 = tpu.memref_slice %arg2[%dma_start3A_460, %dma_start3A_461] : memref<1000000x64xf32, #tpu.memory_space<hbm>> -> memref<1000000x64xf32, #tpu.memory_space<hbm>>
        %dma_start3A_463 = tpu.memref_slice %arg12[%dma_start3A_452] : memref<4x!tpu.dma_semaphore, #tpu.memory_space<semaphore_mem>> -> memref<1x!tpu.dma_semaphore, #tpu.memory_space<semaphore_mem>>
        %dma_start3A_464 = tpu.memref_squeeze %dma_start3A_463 : memref<1x!tpu.dma_semaphore, #tpu.memory_space<semaphore_mem>> -> memref<!tpu.dma_semaphore, #tpu.memory_space<semaphore_mem>>
        tpu.enqueue_indirect_dma source(%dma_start3A_462 : memref<1000000x64xf32, #tpu.memory_space<hbm>>) target(%dma_start3A_456 : memref<80x64xf32, #tpu.memory_space<vmem>>) offsets(%dma_start3A_459 : memref<80xi32, #tpu.memory_space<vmem>>) semaphore(%dma_start3A_464 : memref<!tpu.dma_semaphore, #tpu.memory_space<semaphore_mem>>)
      } else {
      }
    }
    %scan3A_126 = arith.constant 32 : i32
    %add3A_127 = arith.constant 126 : i32
    %add3A_128 = arith.addi %mul3A_2, %add3A_127 : i32
    %mul3A_129 = arith.constant 200 : i32
    %mul3A_130 = arith.muli %add3A_128, %mul3A_129 : i32
    %dma_wait3A = arith.constant 0 : i32
    %dma_wait3A_131 = arith.constant 0 : i32
    %dma_wait3A_132 = arith.constant 0 : i32
    %dma_wait3A_133 = arith.constant 0 : i32
    %dma_wait3A_134 = tpu.memref_slice %arg9[%dma_wait3A, %dma_wait3A_132, %dma_wait3A_133] : memref<2x200x64xf32, #tpu.memory_space<vmem>> -> memref<1x200x64xf32, #tpu.memory_space<vmem>>
    %dma_wait3A_135 = tpu.memref_squeeze %dma_wait3A_134 : memref<1x200x64xf32, #tpu.memory_space<vmem>> -> memref<200x64xf32, #tpu.memory_space<vmem>>
    %dma_wait3A_136 = arith.constant 0 : i32
    %dma_wait3A_137 = tpu.memref_slice %arg5[%mul3A_130, %dma_wait3A_136] : memref<819200x64xf32, #tpu.memory_space<hbm>> -> memref<200x64xf32, #tpu.memory_space<hbm>>
    %dma_wait3A_138 = tpu.memref_slice %arg13[%dma_wait3A_131] : memref<2x!tpu.dma_semaphore, #tpu.memory_space<semaphore_mem>> -> memref<1x!tpu.dma_semaphore, #tpu.memory_space<semaphore_mem>>
    %dma_wait3A_139 = tpu.memref_squeeze %dma_wait3A_138 : memref<1x!tpu.dma_semaphore, #tpu.memory_space<semaphore_mem>> -> memref<!tpu.dma_semaphore, #tpu.memory_space<semaphore_mem>>
    %dma_wait3A_140 = arith.constant 0 : i32
    %dma_wait3A_141 = tpu.memref_slice %arg5[%mul3A_130, %dma_wait3A_140] : memref<819200x64xf32, #tpu.memory_space<hbm>> -> memref<200x64xf32, #tpu.memory_space<hbm>>
    %dma_wait3A_142 = arith.constant 0 : i32
    %dma_wait3A_143 = arith.constant 0 : i32
    %dma_wait3A_144 = tpu.memref_slice %arg9[%dma_wait3A, %dma_wait3A_142, %dma_wait3A_143] : memref<2x200x64xf32, #tpu.memory_space<vmem>> -> memref<1x200x64xf32, #tpu.memory_space<vmem>>
    %dma_wait3A_145 = tpu.memref_squeeze %dma_wait3A_144 : memref<1x200x64xf32, #tpu.memory_space<vmem>> -> memref<200x64xf32, #tpu.memory_space<vmem>>
    tpu.wait_dma2 semaphore(%dma_wait3A_139 : memref<!tpu.dma_semaphore, #tpu.memory_space<semaphore_mem>>) src(%dma_wait3A_145 : memref<200x64xf32, #tpu.memory_space<vmem>>) dst(%dma_wait3A_141 : memref<200x64xf32, #tpu.memory_space<hbm>>)
    %add3A_146 = arith.constant 127 : i32
    %add3A_147 = arith.addi %mul3A_2, %add3A_146 : i32
    %mul3A_148 = arith.constant 200 : i32
    %mul3A_149 = arith.muli %add3A_147, %mul3A_148 : i32
    %dma_wait3A_150 = arith.constant 1 : i32
    %dma_wait3A_151 = arith.constant 1 : i32
    %dma_wait3A_152 = arith.constant 0 : i32
    %dma_wait3A_153 = arith.constant 0 : i32
    %dma_wait3A_154 = tpu.memref_slice %arg9[%dma_wait3A_150, %dma_wait3A_152, %dma_wait3A_153] : memref<2x200x64xf32, #tpu.memory_space<vmem>> -> memref<1x200x64xf32, #tpu.memory_space<vmem>>
    %dma_wait3A_155 = tpu.memref_squeeze %dma_wait3A_154 : memref<1x200x64xf32, #tpu.memory_space<vmem>> -> memref<200x64xf32, #tpu.memory_space<vmem>>
    %dma_wait3A_156 = arith.constant 0 : i32
    %dma_wait3A_157 = tpu.memref_slice %arg5[%mul3A_149, %dma_wait3A_156] : memref<819200x64xf32, #tpu.memory_space<hbm>> -> memref<200x64xf32, #tpu.memory_space<hbm>>
    %dma_wait3A_158 = tpu.memref_slice %arg13[%dma_wait3A_151] : memref<2x!tpu.dma_semaphore, #tpu.memory_space<semaphore_mem>> -> memref<1x!tpu.dma_semaphore, #tpu.memory_space<semaphore_mem>>
    %dma_wait3A_159 = tpu.memref_squeeze %dma_wait3A_158 : memref<1x!tpu.dma_semaphore, #tpu.memory_space<semaphore_mem>> -> memref<!tpu.dma_semaphore, #tpu.memory_space<semaphore_mem>>
    %dma_wait3A_160 = arith.constant 0 : i32
    %dma_wait3A_161 = tpu.memref_slice %arg5[%mul3A_149, %dma_wait3A_160] : memref<819200x64xf32, #tpu.memory_space<hbm>> -> memref<200x64xf32, #tpu.memory_space<hbm>>
    %dma_wait3A_162 = arith.constant 0 : i32
    %dma_wait3A_163 = arith.constant 0 : i32
    %dma_wait3A_164 = tpu.memref_slice %arg9[%dma_wait3A_150, %dma_wait3A_162, %dma_wait3A_163] : memref<2x200x64xf32, #tpu.memory_space<vmem>> -> memref<1x200x64xf32, #tpu.memory_space<vmem>>
    %dma_wait3A_165 = tpu.memref_squeeze %dma_wait3A_164 : memref<1x200x64xf32, #tpu.memory_space<vmem>> -> memref<200x64xf32, #tpu.memory_space<vmem>>
    tpu.wait_dma2 semaphore(%dma_wait3A_159 : memref<!tpu.dma_semaphore, #tpu.memory_space<semaphore_mem>>) src(%dma_wait3A_165 : memref<200x64xf32, #tpu.memory_space<vmem>>) dst(%dma_wait3A_161 : memref<200x64xf32, #tpu.memory_space<hbm>>)
    return
  }
}

</mosaic_0001>

<sc_bundles>
// kernel: kernel.3.cloned.1.call-start
scs
__scs_entry_jumppad:
0x0: {  	(pc) =	sbr.rel $0x88, $3  }
0x1: {  	(tag) =	ssettag $0x0;
	lr =	simm.s32 $0x1  }
0x2: {  	[smem:$0x3F9F] =	sst lr;
	_ =	strace $0xD0000000  }
0x3: {  	_ = 	snop  }
0x4: {  	_ = 	snop  }
0x5: {  	_ = 	snop  }
0x6: {  	_ = 	snop  }
0x7: {  	_ = 	snop  }
__scs_overlays_trampoline_lowered:
0x8: {  	[smem:$0x3FAE] =	sst s0  }
0x9: {  	[smem:$0x3FAF] =	sst s1  }
0xa: {  	[smem:$0x3FB0] =	sst s2  }
0xb: {  	[smem:$0x3FB1] =	sst s3  }
0xc: {  	[smem:$0x3FB2] =	sst s4  }
0xd: {  	[smem:$0x3FB3] =	sst s5  }
0xe: {  	[smem:$0x3FB4] =	sst s6  }
0xf: {  	[smem:$0x3FB5] =	sst s7  }
0x10: {  	[smem:$0x3FB6] =	sst s8  }
0x11: {  	[smem:$0x3FB7] =	sst s9;
	s0 =	simm.s32 @!p0 $0x0  }
0x12: {  	s1 =	sld [smem:$0x3F9D];
	s0 =	simm.s32 @p0 $0x1  }
0x13: {  	[smem:$0x3FB8] =	sst s0;
	s0 =	simm.s32 @!p1 $0x0  }
0x14: {  	s2 =	sld [smem:$0x3F9C];
	s0 =	simm.s32 @p1 $0x1  }
0x15: {  	[smem:$0x3FB9] =	sst s0;
	s0 =	simm.s32 @!p2 $0x0  }
0x16: {  	s3 =	sld [smem:$0x3FDB];
	s0 =	simm.s32 @p2 $0x1  }
0x17: {  	s4 =	simm.s32 $0x1BF5;
	[smem:$0x3FBB] =	sst s0  }
0x18: {  	s0 =	sld [smem:$0x3F9E];
	_ =	swait.ge [sflag:s4], $0x0  }
0x19: {  	s7 =	sld [smem:$0x3F9F]  }
0x1a: {  	s8 =	sadd.s32 $0xFFFFE003, lr  }
0x1b: {  	s9 =	sadd.s32 $0xFFFFFEF7, lr;
	s5 =	simm.s32 $0xFFFFFFFF;
	p2 =	slt.u32 s8, $0xFFFFF086  }
0x1c: {  	p1 =	slt.u32 s9, $0xF7A;
	s5 =	simm.s32 @!p2 $0x0  }
0x1d: {  	s5 =	simm.s32 @p1 $0x1;
	p0 =	seq.s32 s7, s2  }
0x1e: {  	s7 =	smul.u32 @!p0 $0xF7A, s2;
	p2 =	seq.s32 @!p0 s5, $0x0  }
0x1f: {  	s9 =	smul.u32 $0xF7A, s1;
	s8 =	simm.s32 @!p0 $0x1BF5;
	p2 =	por !p2, p0  }
0x20: {  	[sflag:s8] =	ssyncset.s32 @!p0 $0xFFFFF086;
	s6 =	sadd.s32 @!p0 s3, s7;
	s7 =	simm.s32 @!p0 $0x108  }
0x21: {  	s3 =	sadd.s32 s3, s9;
	s6 =	sadd.s32 @!p0 $0x88, s6;
	s7 =	simm.s32 @p2 $0x1082  }
0x22: {  	[simem:s7], [sflag:s8] =	dma.local @!p0 [hbm:s6], $0xF7A  }
0x23: {  	s9 =	sor.u32 $0xD0000000, s2;
	s6 =	simm.s32 $0x108;
	_ =	swait.ge @!p0 [sflag:s8], $0x0  }
0x24: {  	s3 =	sadd.s32 $0x88, s3;
	s6 =	simm.s32 @!p1 $0x1082;
	[sflag:s4] =	ssyncset.s32 $0xFFFFF086  }
0x25: {  	[simem:s6], [sflag:s4] =	dma.local [hbm:s3], $0xF7A  }
0x26: {  	[smem:$0x3F9F] =	sst s1;
	(tag) =	ssettag s2;
	_ =	strace s9  }
0x27: {  	s1 =	sld [smem:$0x3FAF]  }
0x28: {  	s2 =	sld [smem:$0x3FB0]  }
0x29: {  	s4 =	sld [smem:$0x3FB2]  }
0x2a: {  	p0 =	seq.s32 s5, $0x0;
	s5 =	sld [smem:$0x3FB3]  }
0x2b: {  	s6 =	sld [smem:$0x3FB4]  }
0x2c: {  	s7 =	sld [smem:$0x3FB5]  }
0x2d: {  	s3 =	simm.s32 $0x108;
	s8 =	sld [smem:$0x3FB6]  }
0x2e: {  	s3 =	simm.s32 @!p0 $0x1082;
	s9 =	sld [smem:$0x3FB7]  }
0x2f: {  	lr =	sadd.s32 s0, s3;
	s0 =	sld [smem:$0x3FAE]  }
0x30: {  	s3 =	sld [smem:$0x3FB1]  }
0x31: {  	[smem:$0x3FBA] =	sst s10  }
0x32: {  	s10 =	sld [smem:$0x3FB8];
	_ =	sdelay $0x3  }
0x33: {  	p0 =	seq.s32 s10, $0x1;
	s10 =	sld [smem:$0x3FBA];
	_ =	sdelay $0x3  }
0x34: {  	[smem:$0x3FBA] =	sst s10  }
0x35: {  	s10 =	sld [smem:$0x3FB9];
	_ =	sdelay $0x3  }
0x36: {  	p1 =	seq.s32 s10, $0x1;
	s10 =	sld [smem:$0x3FBA];
	_ =	sdelay $0x3  }
0x37: {  	[smem:$0x3FBA] =	sst s10  }
0x38: {  	s10 =	sld [smem:$0x3FBB]  }
0x39: {  	_ = 	snop;
	(pc) =	sbr.ind lr, $3  }
0x3a: {  	_ = 	snop  }
0x3b: {  	_ = 	snop  }
0x3c: {  	p2 =	seq.s32 s10, $0x1;
	s10 =	sld [smem:$0x3FBA]  }
0x3d: {  	_ =	shalt  }
0x3e: {  	_ =	shalt  }
0x3f: {  	_ =	shalt  }
0x40: {  	_ =	shalt  }
0x41: {  	_ =	shalt  }
0x42: {  	_ =	shalt  }
0x43: {  	_ =	shalt  }
0x44: {  	_ =	shalt  }
0x45: {  	_ =	shalt  }
0x46: {  	_ =	shalt  }
0x47: {  	_ =	shalt  }
0x48: {  	_ =	shalt  }
0x49: {  	_ =	shalt  }
0x4a: {  	_ =	shalt  }
0x4b: {  	_ =	shalt  }
0x4c: {  	_ =	shalt  }
0x4d: {  	_ =	shalt  }
0x4e: {  	_ =	shalt  }
0x4f: {  	_ =	shalt  }
0x50: {  	_ =	shalt  }
0x51: {  	_ =	shalt  }
0x52: {  	_ =	shalt  }
0x53: {  	_ =	shalt  }
0x54: {  	_ =	shalt  }
0x55: {  	_ =	shalt  }
0x56: {  	_ =	shalt  }
0x57: {  	_ =	shalt  }
0x58: {  	_ =	shalt  }
0x59: {  	_ =	shalt  }
0x5a: {  	_ =	shalt  }
0x5b: {  	_ =	shalt  }
0x5c: {  	_ =	shalt  }
0x5d: {  	_ =	shalt  }
0x5e: {  	_ =	shalt  }
0x5f: {  	_ =	shalt  }
0x60: {  	_ =	shalt  }
0x61: {  	_ =	shalt  }
0x62: {  	_ =	shalt  }
0x63: {  	_ =	shalt  }
0x64: {  	_ =	shalt  }
0x65: {  	_ =	shalt  }
0x66: {  	_ =	shalt  }
0x67: {  	_ =	shalt  }
0x68: {  	_ =	shalt  }
0x69: {  	_ =	shalt  }
0x6a: {  	_ =	shalt  }
0x6b: {  	_ =	shalt  }
0x6c: {  	_ =	shalt  }
0x6d: {  	_ =	shalt  }
0x6e: {  	_ =	shalt  }
0x6f: {  	_ =	shalt  }
0x70: {  	_ =	shalt  }
0x71: {  	_ =	shalt  }
0x72: {  	_ =	shalt  }
0x73: {  	_ =	shalt  }
0x74: {  	_ =	shalt  }
0x75: {  	_ =	shalt  }
0x76: {  	_ =	shalt  }
0x77: {  	_ =	shalt  }
0x78: {  	_ =	shalt  }
0x79: {  	_ =	shalt  }
0x7a: {  	_ =	shalt  }
0x7b: {  	_ =	shalt  }
0x7c: {  	_ =	shalt  }
0x7d: {  	_ =	shalt  }
0x7e: {  	_ =	shalt  }
0x7f: {  	_ =	shalt  }
0x80: {  	_ =	shalt  }
0x81: {  	_ =	shalt  }
0x82: {  	_ =	shalt  }
0x83: {  	_ =	shalt  }
0x84: {  	_ =	shalt  }
0x85: {  	_ =	shalt  }
0x86: {  	_ =	shalt  }
0x87: {  	_ =	shalt  }
.Lfunc_end0:
.L_simem_size_0:
called_computation.1_lowered:
.L_overlay_start_0:
0x88: {  	s2 =	sld [smem:$0x3FD9]  }
0x89: {  	s3 =	sld [smem:$0x3FFE];
	_ =	sdelay $0x1  }
0x8a: {  	s1 =	srdreg.scid  }
0x8b: {  	s0 =	sand.u32 $0x1, s1  }
0x8c: {  	s17 =	sshll.u32 s0, $0xA;
	s2 =	sadd.s32 s3, s2  }
0x8d: {  	s2 =	sadd.s32 s2, s17  }
0x8e: {  	[smem:$0x3FC6] =	sst s2  }
0x8f: {  	_ = 	snop  }
0x90: {  	s2 =	sld [smem:$0x3FD0];
	(tm) =	ssettm $0x1  }
0x91: {  	s18 =	sld [smem:$0x3FFB];
	_ =	sdelay $0x3  }
0x92: {  	_ =	strace s18  }
0x93: {  	s3 =	sld [smem:$0x3FFC];
	_ =	sdelay $0x3  }
0x94: {  	_ =	strace s3  }
0x95: {  	s3 =	sld [smem:$0x3FFD];
	_ =	sdelay $0x3  }
0x96: {  	_ =	strace s3  }
0x97: {  	_ =	strace $0x8FFFFFFF  }
0x98: {  	s19 =	sld [smem:$0x3FDB];
	_ =	sdelay $0x1  }
0x99: {  	s4 =	simm.s32 $_scs_section_size  }
0x9a: {  	s5 =	simm.s32 $_size__tile_overlayer_lowered;
	s6 =	simm.s32 $_tile_overlayer_lowered  }
0x9b: {  	s22 =	simm.s32 $0x1BFF;
	s21 =	sshll.u32 s6, $0x1;
	s3 =	sadd.s32 s4, s19  }
0x9c: {  	s7 =	simm.s32 $0x0;
	s20 =	sshll.u32 s5, $0x1;
	s5 =	sadd.s32 s21, s3  }
0x9d: {  	[timem:s7], [sflag:s22] =	dma.local [hbm:s5], s20  }
0x9e: {  	_ =	swait.ge [sflag:s22], s20  }
0x9f: {  	s4 =	ssub.s32 $0x0, s20;
	[sflag:s22] =	ssyncset.done $0x0  }
0xa0: {  	[sflag:s22] =	ssyncadd.s32 s4;
	_ =	sdelay $0x1  }
0xa1: {  	s23 =	simm.s32 $0x1B8B  }
0xa2: {  	_ =	swait.ge [sflag:s23], $0x1  }
0xa3: {  	[sflag:s23] =	ssyncset.done $0x0  }
0xa4: {  	s25 =	simm.s32 $0x1B8E;
	s24 =	sld [smem:$0x3FFE];
	[sflag:s23] =	ssyncadd.s32 $0xFFFFFFFF  }
0xa5: {  	s26 =	simm.s32 $execute0_lowered;
	[smem:$0x3FD2] =	sst s25  }
0xa6: {  	s5 =	sshll.u32 s26, $0x1;
	_ =	strace $0x80000046;
	[dreg:$0x1] =	wrdreg $0xFFFFFFFF  }
0xa7: {  	s28 =	simm.s32 $_size_execute0_lowered;
	s3 =	sadd.s32 s3, s5;
	[dreg:$0x0] =	wrdreg $0x0  }
0xa8: {  	s5 =	sshll.u32 s28, $0x1;
	[dreg:$0x2] =	wrdreg s3  }
0xa9: {  	[dreg:$0x3] =	wrdreg s5  }
0xaa: {  	[dreg:$0x4] =	wrdreg $0xC0  }
0xab: {  	_ =	task [dreg:s7], $0x5FFFF  }
0xac: {  	[dreg:$0x1] =	wrdreg $0xFFFFFFFF  }
0xad: {  	[dreg:$0x0] =	wrdreg $0x60  }
0xae: {  	[dreg:$0x2] =	wrdreg s24  }
0xaf: {  	[dreg:$0x3] =	wrdreg s2  }
0xb0: {  	[dreg:$0x4] =	wrdreg $0x9  }
0xb1: {  	_ =	task.clear_ibuf [dreg:s7], $0x5FFFF;
	_ =	strace $0x90000046  }
0xb2: {  	s29 =	simm.s32 $0x9;
	_ =	strace $0x80000048  }
0xb3: {  	_ =	swait.ge [sflag:s29], $0x1  }
0xb4: {  	[sflag:s29] =	ssyncadd.s32 $0xFFFFFFFF  }
0xb5: {  	_ =	strace $0x90000048  }
0xb6: {  	_ =	sfence  }
0xb7: {  	s30 =	sld [smem:$0x0];
	_ =	sdelay $0x2  }
0xb8: {  	s31 =	sshll.u32 s1, $0xD;
	s1 =	sshrl.u32 s1, $0x2  }
0xb9: {  	s3 =	sand.u32 $0x4000, s31;
	s1 =	sadd.s32 s1, s30  }
0xba: {  	s0 =	sor.u32 s3, s0;
	s1 =	sshll.u32 s1, $0x11  }
0xbb: {  	s0 =	sor.u32 s1, s0  }
0xbc: {  	s0 =	sadd.s32 $0x8F2B, s0  }
0xbd: {  	[sflag:s0] =	ssyncadd.remote.s32 $0x1  }
0xbe: {  	_ =	sfence.sel $0xFFFF  }
0xbf: {  	[dreg:$0x0] =	wrdreg $0xFFFFFFFF;
	(pc) =	sbr.abs _section_cstart, $3  }
0xc0: {  	[dreg:$0x1] =	wrdreg $0xFFFFFFFF  }
0xc1: {  	_ =	task.clear_ibuf [dreg:s7], $0x2FFFF;
	_ =	strace $0x9FFFFFFF  }
0xc2: {  	(tm) =	ssettm $0x7FFFFFFF  }
0xc3: {  	_ =	shalt  }
tec
execute0_lowered:
.L_overlay_start_1:
0x0: {  	(tag) =	ssettag $0x1  }
0x1: {  	s0 =	srdreg.scid  }
0x2: {  	s1 =	rddreg [dreg:$0x0];
	s3 =	stileid.u32  }
0x3: {  	s2 =	rddreg [dreg:$0x1];
	s11 =	simm.s32 $0xB;
	s12 =	simm.s32 $0x78  }
0x4: {  	s14 =	simm.s32 $0x50;
	s29 =	simm.s32 $0x11800;
	s30 =	simm.s32 $0x1  }
0x5: {  	s31 =	simm.s32 $0x5;
	s10 =	simm.s32 $0x6;
	s16 =	simm.s32 $0x15E00  }
0x6: {  	s17 =	simm.s32 $0x3;
	s18 =	simm.s32 $0x7;
	s19 =	simm.s32 $0x9  }
0x7: {  	s20 =	simm.s32 $0x4;
	s21 =	simm.s32 $0x8;
	s0 =	sand.u32 $0x1, s0  }
0x8: {  	s22 =	simm.s32 $0xA;
	s4 =	sshll.u32 s3, $0x8;
	s5 =	sshll.u32 s0, $0x7  }
0x9: {  	s23 =	simm.s32 $0x0;
	s3 =	simm.s32 $0x0;
	s4 =	sor.u32 s5, s4  }
0xa: {  	[smem:$0x7FF] =	sst s3;
	s0 =	ssub.s32 $0x2, s0;
	s6 =	smul.u32 $0x19, s4  }
.Ltmp0:
0xb: {  	_ =	strace $0x80000047;
	s26 =	sshrl.u32 s0, $0x1;
	(pc) =	sbr.rel .LBB2_1-.Ltmp0, $4  }
0xc: {  	s5 =	sadd.s32 $0xF43000, s1;
	s0 =	ssub.s32 s0, s26;
	s26 =	simm.s32 $0xFA00  }
0xd: {  	s9 =	smax.u32 s0, $0x1;
	s6 =	sadd.s32 s6, s1;
	s1 =	sadd.s32 $0x19C00, s1  }
0xe: {  	s0 =	simm.s32 $0x2;
	[dreg:$0x3] =	wrdreg s1;
	s28 =	sadd.s32 $0xC00, s6  }
0xf: {  	s8 =	sadd.s32 $0xC0F, s6;
	s1 =	simm.s32 $0x12C00;
	[dreg:$0x4] =	wrdreg s28  }
.LBB2_12:
0x10: {  	s23 =	sadd.s32 $0x1, s23  }
0x11: {  	_ =	swait.ge [sflag:s19], $0x3200;
	p0 =	sne.s32 s23, s9  }
.Ltmp1:
0x12: {  	[sflag:s19] =	ssyncset.done $0x0;
	(pc) =	sbr.rel @!p0 .LBB2_13-.Ltmp1, $4  }
0x13: {  	[sflag:s19] =	ssyncadd.s32 $0xFFFFCE00  }
0x14: {  	_ =	swait.ge [sflag:s22], $0x3200  }
0x15: {  	[sflag:s22] =	ssyncset.done $0x0  }
0x16: {  	[sflag:s22] =	ssyncadd.s32 $0xFFFFCE00  }
.LBB2_1:
0x17: {  	s6 =	rddreg [dreg:$0x3];
	s7 =	simm.s32 $0x19000  }
0x18: {  	[tilespmem:s7], [sflag:$0xB] =	stream.linear.gather [hbm4b:s6+s3], $0x3200, $0x38;
	[tilespmem:$0x1C200] =	vst v63  }
0x19: {  	_ =	swait.ge [sflag:s11], $0x3200  }
0x1a: {  	[sflag:s11] =	ssyncset.done $0x0  }
0x1b: {  	s25 =	simm.s32 $0xC8;
	s24 =	rddreg [dreg:$0x4];
	[sflag:s11] =	ssyncadd.s32 $0xFFFFCE00  }
0x1c: {  	[tilespmem:s3], [sflag:$0xB] =	stream.strided.gather [hbm4b:s24+s12], $0x3C00, s25, s12, $0x38;
	[tilespmem:$0x1C200] =	vst v63  }
0x1d: {  	_ =	swait.ge [sflag:s11], $0x3C00  }
0x1e: {  	[sflag:s11] =	ssyncset.done $0x0  }
0x1f: {  	s28 =	simm.s32 $0x3C00;
	[sflag:s11] =	ssyncadd.s32 $0xFFFFC400  }
0x20: {  	[tilespmem:s28], [sflag:$0xB] =	stream.strided.gather [hbm4b:s8+s14], $0x2800, s25, s14, $0x38;
	[tilespmem:$0x1C200] =	vst v63  }
0x21: {  	_ =	swait.ge [sflag:s11], $0x2800  }
0x22: {  	[sflag:s11] =	ssyncset.done $0x0  }
0x23: {  	s13 =	simm.s32 $0x6400;
	[sflag:s11] =	ssyncadd.s32 $0xFFFFD800  }
0x24: {  	[tilespmem:s13], [sflag:$0x1] =	stream.indirect.gather [hbm4b:s5+s12], $0x40, s3, s12, $0xb8;
	[tilespmem:$0x1C200] =	vst v63  }
0x25: {  	s15 =	simm.s32 $0x8200  }
0x26: {  	[tilespmem:s15], [sflag:$0x5] =	stream.indirect.gather [hbm4b:s5+s14], $0x40, s28, s14, $0xb8;
	[tilespmem:$0x1C200] =	vst v63  }
0x27: {  	s24 =	simm.s32 $0x9600  }
0x28: {  	[tilespmem:s24], [sflag:$0x2] =	stream.indirect.gather [hbm4b:s5+s12], $0x40, s12, s12, $0xb8;
	[tilespmem:$0x1C200] =	vst v63  }
0x29: {  	s25 =	simm.s32 $0x3C50;
	s28 =	simm.s32 $0xB400  }
0x2a: {  	[tilespmem:s28], [sflag:$0x6] =	stream.indirect.gather [hbm4b:s5+s14], $0x40, s25, s14, $0xb8;
	[tilespmem:$0x1C200] =	vst v63  }
0x2b: {  	s7 =	simm.s32 $0xF0;
	s13 =	simm.s32 $0xC800  }
0x2c: {  	[tilespmem:s13], [sflag:$0x3] =	stream.indirect.gather [hbm4b:s5+s12], $0x40, s7, s12, $0xb8;
	[tilespmem:$0x1C200] =	vst v63  }
0x2d: {  	s15 =	simm.s32 $0x3CA0;
	s24 =	simm.s32 $0xE600  }
0x2e: {  	[tilespmem:s24], [sflag:$0x7] =	stream.indirect.gather [hbm4b:s5+s14], $0x40, s15, s14, $0xb8;
	[tilespmem:$0x1C200] =	vst v63  }
0x2f: {  	s25 =	simm.s32 $0x168  }
0x30: {  	[tilespmem:s26], [sflag:$0x4] =	stream.indirect.gather [hbm4b:s5+s12], $0x40, s25, s12, $0xb8;
	[tilespmem:$0x1C200] =	vst v63  }
0x31: {  	s28 =	simm.s32 $0x3CF0;
	s24 =	simm.s32 $0x0  }
0x32: {  	[tilespmem:s29], [sflag:$0x8] =	stream.indirect.gather [hbm4b:s5+s14], $0x40, s28, s14, $0xb8;
	[tilespmem:$0x1C200] =	vst v63  }
.LBB2_2:
0x33: {  	_ =	swait.ge [sflag:s30], $0x1E00  }
0x34: {  	[sflag:s30] =	ssyncset.done $0x0  }
0x35: {  	[sflag:s30] =	ssyncadd.s32 $0xFFFFE200  }
0x36: {  	_ =	swait.ge [sflag:s31], $0x1400  }
0x37: {  	p1 =	seq.s32 s24, $0x0;
	[sflag:s31] =	ssyncset.done $0x0  }
0x38: {  	s6 =	simm.s32 @!p1 $0x9;
	[sflag:s31] =	ssyncadd.s32 $0xFFFFEC00  }
0x39: {  	_ =	swait.ge @!p1 [sflag:s6], $0x3200  }
0x3a: {  	[sflag:s6] =	ssyncset.done @!p1 $0x0  }
0x3b: {  	[sflag:s6] =	ssyncadd.s32 @!p1 $0xFFFFCE00;
	s6 =	simm.s32 $0x0  }
0x3c: {  	v3 =	vld [tilespmem:s6+$0x6430]  }
0x3d: {  	v4 =	vld [tilespmem:s6+$0x6400]  }
0x3e: {  	v6 =	vld [tilespmem:s6+$0x19030]  }
0x3f: {  	v1 =	vld [tilespmem:s6+$0x6410]  }
0x40: {  	v0 =	vld [tilespmem:s6+$0x6420]  }
0x41: {  	v2 =	vld [tilespmem:s6+$0x19000];
	v7 =	vmul.f32 $8.000000000e+00, v3  }
0x42: {  	v3 =	vld [tilespmem:s6+$0x19010]  }
0x43: {  	s25 =	sshll.u32 s24, $0x2;
	s28 =	simm.s32 $0x40;
	s13 =	simm.s32 $0x200;
	v5 =	vmul.f32 $8.000000000e+00, v4;
	v4 =	vld [tilespmem:s6+$0x19020];
	v6 =	vadd.f32 v6, v7  }
.LBB2_3:
0x44: {  	p0 =	sne.s32 s13, $0xC700;
	v7 =	vld [tilespmem:s28+$0x6430];
	v8 =	vmul.f32 $8.000000000e+00, v1  }
0x45: {  	v9 =	vld [tilespmem:s28+$0x6400];
	v10 =	vmul.f32 $8.000000000e+00, v0;
	[tilespmem:s6+$0x12C30] =	vst v6  }
0x46: {  	v6 =	vld [tilespmem:s28+$0x19030];
	v2 =	vadd.f32 v2, v5  }
.Ltmp2:
0x47: {  	v1 =	vld [tilespmem:s28+$0x6410];
	v3 =	vadd.f32 v3, v8;
	(pc) =	sbr.rel @p0 .LBB2_3-.Ltmp2, $4  }
0x48: {  	v0 =	vld [tilespmem:s28+$0x6420];
	[tilespmem:s6+$0x12C00] =	vst v2;
	v4 =	vadd.f32 v4, v10  }
0x49: {  	v2 =	vld [tilespmem:s28+$0x19000];
	v7 =	vmul.f32 $8.000000000e+00, v7;
	[tilespmem:s6+$0x12C10] =	vst v3  }
0x4a: {  	v5 =	vmul.f32 $8.000000000e+00, v9;
	v3 =	vld [tilespmem:s28+$0x19010];
	[tilespmem:s6+$0x12C20] =	vst v4;
	s6 =	smov.u32 s28  }
0x4b: {  	s28 =	sshra.s32 s13, $0x2;
	s13 =	sadd.s32 $0x100, s13;
	v4 =	vld [tilespmem:s6+$0x19020];
	v6 =	vadd.f32 v6, v7  }
0x4c: {  	v7 =	vld [tilespmem:s28+$0x6430]  }
0x4d: {  	v8 =	vld [tilespmem:s28+$0x6400];
	v1 =	vmul.f32 $8.000000000e+00, v1;
	[tilespmem:s6+$0x12C30] =	vst v6  }
0x4e: {  	v0 =	vmul.f32 $8.000000000e+00, v0;
	v6 =	vld [tilespmem:s28+$0x19030];
	v2 =	vadd.f32 v2, v5  }
0x4f: {  	v5 =	vld [tilespmem:s28+$0x6410];
	v1 =	vadd.f32 v3, v1  }
0x50: {  	v9 =	vld [tilespmem:s28+$0x6420];
	[tilespmem:s6+$0x12C00] =	vst v2;
	v0 =	vadd.f32 v4, v0  }
0x51: {  	v2 =	vld [tilespmem:s28+$0x19000];
	[tilespmem:s6+$0x12C10] =	vst v1  }
0x52: {  	v1 =	vld [tilespmem:s28+$0x19010];
	[tilespmem:s6+$0x12C20] =	vst v0  }
0x53: {  	v0 =	vmul.f32 $8.000000000e+00, v7;
	v3 =	vld [tilespmem:s28+$0x19020]  }
0x54: {  	v4 =	vmul.f32 $8.000000000e+00, v8  }
0x55: {  	v5 =	vmul.f32 $8.000000000e+00, v5;
	v0 =	vadd.f32 v6, v0  }
0x56: {  	v6 =	vmul.f32 $8.000000000e+00, v9;
	v2 =	vadd.f32 v2, v4  }
0x57: {  	s15 =	sadd.s32 s4, s25;
	p0 =	seq.s32 s24, $0x1F;
	[tilespmem:s28+$0x12C30] =	vst v0;
	v0 =	vadd.f32 v1, v5  }
0x58: {  	s7 =	sadd.s32 @!p0 $0x4, s25;
	s6 =	smul.u32 $0x640, s15;
	[tilespmem:s28+$0x12C00] =	vst v2;
	v1 =	vadd.f32 v3, v6  }
0x59: {  	s13 =	smul.u32 @!p0 $0x1E0, s7;
	[tilespmem:s28+$0x12C10] =	vst v0  }
0x5a: {  	s7 =	smul.u32 @!p0 $0x140, s7;
	s6 =	sadd.s32 s2, s6;
	[tilespmem:s28+$0x12C20] =	vst v1  }
0x5b: {  	[hbm4b:s6+s3] =	stream.linear.scatter [tilespmem:s1], [sflag:$0x9], $0x3200, $0x38;
	[tilespmem:$0x1C200] =	vst v63  }
0x5c: {  	s28 =	simm.s32 @!p0 $0x6400;
	s6 =	sshra.s32 @!p0 s13, $0x2;
	s13 =	simm.s32 @!p0 $0x78  }
0x5d: {  	[tilespmem:s28], [sflag:$0x1] =	stream.indirect.gather @!p0 [hbm4b:s5+s13], $0x40, s6, s13, $0xb8;
	[tilespmem:$0x1C200] =	vst v63  }
0x5e: {  	s6 =	sshra.s32 @!p0 s7, $0x2  }
0x5f: {  	s7 =	simm.s32 @!p0 $0x50;
	s13 =	simm.s32 @!p0 $0x8200;
	s6 =	sadd.s32 @!p0 $0x3C00, s6  }
0x60: {  	[tilespmem:s13], [sflag:$0x5] =	stream.indirect.gather @!p0 [hbm4b:s5+s7], $0x40, s6, s7, $0xb8;
	[tilespmem:$0x1C200] =	vst v63  }
0x61: {  	_ =	swait.ge [sflag:s0], $0x1E00  }
0x62: {  	[sflag:s0] =	ssyncset.done $0x0  }
0x63: {  	[sflag:s0] =	ssyncadd.s32 $0xFFFFE200  }
0x64: {  	_ =	swait.ge [sflag:s10], $0x1400  }
0x65: {  	[sflag:s10] =	ssyncset.done $0x0  }
0x66: {  	s6 =	simm.s32 @!p1 $0xA;
	[sflag:s10] =	ssyncadd.s32 $0xFFFFEC00  }
0x67: {  	_ =	swait.ge @!p1 [sflag:s6], $0x3200  }
0x68: {  	[sflag:s6] =	ssyncset.done @!p1 $0x0  }
0x69: {  	s13 =	simm.s32 $0x0;
	[sflag:s6] =	ssyncadd.s32 @!p1 $0xFFFFCE00  }
0x6a: {  	v3 =	vld [tilespmem:s13+$0x9630]  }
0x6b: {  	v4 =	vld [tilespmem:s13+$0x9600]  }
0x6c: {  	v6 =	vld [tilespmem:s13+$0x19030]  }
0x6d: {  	v1 =	vld [tilespmem:s13+$0x9610]  }
0x6e: {  	v0 =	vld [tilespmem:s13+$0x9620]  }
0x6f: {  	v2 =	vld [tilespmem:s13+$0x19000];
	v7 =	vmul.f32 $8.000000000e+00, v3  }
0x70: {  	v3 =	vld [tilespmem:s13+$0x19010]  }
0x71: {  	s28 =	sor.u32 $0x1, s25;
	s7 =	simm.s32 $0x200;
	s6 =	simm.s32 $0x40;
	v5 =	vmul.f32 $8.000000000e+00, v4;
	v4 =	vld [tilespmem:s13+$0x19020];
	v6 =	vadd.f32 v6, v7  }
.LBB2_5:
0x72: {  	p1 =	sne.s32 s7, $0xC700;
	v7 =	vld [tilespmem:s6+$0x9630];
	v8 =	vmul.f32 $8.000000000e+00, v1  }
0x73: {  	v9 =	vld [tilespmem:s6+$0x9600];
	v10 =	vmul.f32 $8.000000000e+00, v0;
	[tilespmem:s13+$0x15E30] =	vst v6  }
0x74: {  	v6 =	vld [tilespmem:s6+$0x19030];
	v2 =	vadd.f32 v2, v5  }
.Ltmp3:
0x75: {  	v1 =	vld [tilespmem:s6+$0x9610];
	v3 =	vadd.f32 v3, v8;
	(pc) =	sbr.rel @p1 .LBB2_5-.Ltmp3, $4  }
0x76: {  	v0 =	vld [tilespmem:s6+$0x9620];
	[tilespmem:s13+$0x15E00] =	vst v2;
	v4 =	vadd.f32 v4, v10  }
0x77: {  	v2 =	vld [tilespmem:s6+$0x19000];
	v7 =	vmul.f32 $8.000000000e+00, v7;
	[tilespmem:s13+$0x15E10] =	vst v3  }
0x78: {  	v5 =	vmul.f32 $8.000000000e+00, v9;
	v3 =	vld [tilespmem:s6+$0x19010];
	[tilespmem:s13+$0x15E20] =	vst v4;
	s13 =	smov.u32 s6  }
0x79: {  	s6 =	sshra.s32 s7, $0x2;
	s7 =	sadd.s32 $0x100, s7;
	v4 =	vld [tilespmem:s13+$0x19020];
	v6 =	vadd.f32 v6, v7  }
0x7a: {  	v7 =	vld [tilespmem:s6+$0x9630]  }
0x7b: {  	v8 =	vld [tilespmem:s6+$0x9600];
	v1 =	vmul.f32 $8.000000000e+00, v1;
	[tilespmem:s13+$0x15E30] =	vst v6  }
0x7c: {  	v0 =	vmul.f32 $8.000000000e+00, v0;
	v6 =	vld [tilespmem:s6+$0x19030];
	v2 =	vadd.f32 v2, v5  }
0x7d: {  	v5 =	vld [tilespmem:s6+$0x9610];
	v1 =	vadd.f32 v3, v1  }
0x7e: {  	v9 =	vld [tilespmem:s6+$0x9620];
	[tilespmem:s13+$0x15E00] =	vst v2;
	v0 =	vadd.f32 v4, v0  }
0x7f: {  	v2 =	vld [tilespmem:s6+$0x19000];
	[tilespmem:s13+$0x15E10] =	vst v1  }
0x80: {  	v1 =	vld [tilespmem:s6+$0x19010];
	[tilespmem:s13+$0x15E20] =	vst v0  }
0x81: {  	v0 =	vmul.f32 $8.000000000e+00, v7;
	v3 =	vld [tilespmem:s6+$0x19020]  }
0x82: {  	v4 =	vmul.f32 $8.000000000e+00, v8  }
0x83: {  	v5 =	vmul.f32 $8.000000000e+00, v5;
	v0 =	vadd.f32 v6, v0  }
0x84: {  	s7 =	sadd.s32 s4, s28;
	v6 =	vmul.f32 $8.000000000e+00, v9;
	v2 =	vadd.f32 v2, v4  }
0x85: {  	s7 =	smul.u32 $0x640, s7;
	[tilespmem:s6+$0x15E30] =	vst v0;
	v0 =	vadd.f32 v1, v5  }
0x86: {  	s13 =	sadd.s32 @!p0 $0x5, s25;
	[tilespmem:s6+$0x15E00] =	vst v2;
	v1 =	vadd.f32 v3, v6  }
0x87: {  	s28 =	sadd.s32 s2, s7;
	s7 =	smul.u32 @!p0 $0x1E0, s13;
	[tilespmem:s6+$0x15E10] =	vst v0  }
0x88: {  	s13 =	smul.u32 @!p0 $0x140, s13;
	[tilespmem:s6+$0x15E20] =	vst v1  }
0x89: {  	[hbm4b:s28+s3] =	stream.linear.scatter [tilespmem:s16], [sflag:$0xA], $0x3200, $0x38;
	[tilespmem:$0x1C200] =	vst v63  }
0x8a: {  	s6 =	sshra.s32 @!p0 s7, $0x2;
	s7 =	simm.s32 @!p0 $0x78;
	s28 =	simm.s32 @!p0 $0x9600  }
0x8b: {  	[tilespmem:s28], [sflag:$0x2] =	stream.indirect.gather @!p0 [hbm4b:s5+s7], $0x40, s6, s7, $0xb8;
	[tilespmem:$0x1C200] =	vst v63  }
0x8c: {  	s6 =	sshra.s32 @!p0 s13, $0x2  }
0x8d: {  	s7 =	simm.s32 @!p0 $0x50;
	s13 =	simm.s32 @!p0 $0xB400;
	s6 =	sadd.s32 @!p0 $0x3C00, s6  }
0x8e: {  	[tilespmem:s13], [sflag:$0x6] =	stream.indirect.gather @!p0 [hbm4b:s5+s7], $0x40, s6, s7, $0xb8;
	[tilespmem:$0x1C200] =	vst v63  }
0x8f: {  	_ =	swait.ge [sflag:s17], $0x1E00  }
0x90: {  	[sflag:s17] =	ssyncset.done $0x0  }
0x91: {  	[sflag:s17] =	ssyncadd.s32 $0xFFFFE200  }
0x92: {  	_ =	swait.ge [sflag:s18], $0x1400  }
0x93: {  	[sflag:s18] =	ssyncset.done $0x0  }
0x94: {  	[sflag:s18] =	ssyncadd.s32 $0xFFFFEC00  }
0x95: {  	_ =	swait.ge [sflag:s19], $0x3200  }
0x96: {  	[sflag:s19] =	ssyncset.done $0x0  }
0x97: {  	s13 =	simm.s32 $0x0;
	[sflag:s19] =	ssyncadd.s32 $0xFFFFCE00  }
0x98: {  	v3 =	vld [tilespmem:s13+$0xC830]  }
0x99: {  	v4 =	vld [tilespmem:s13+$0xC800]  }
0x9a: {  	v6 =	vld [tilespmem:s13+$0x19030]  }
0x9b: {  	v1 =	vld [tilespmem:s13+$0xC810]  }
0x9c: {  	v0 =	vld [tilespmem:s13+$0xC820]  }
0x9d: {  	v2 =	vld [tilespmem:s13+$0x19000];
	v7 =	vmul.f32 $8.000000000e+00, v3  }
0x9e: {  	v3 =	vld [tilespmem:s13+$0x19010]  }
0x9f: {  	s6 =	simm.s32 $0x40;
	s7 =	simm.s32 $0x200;
	v5 =	vmul.f32 $8.000000000e+00, v4;
	v4 =	vld [tilespmem:s13+$0x19020];
	v6 =	vadd.f32 v6, v7  }
.LBB2_7:
0xa0: {  	p1 =	sne.s32 s7, $0xC700;
	v7 =	vld [tilespmem:s6+$0xC830];
	v8 =	vmul.f32 $8.000000000e+00, v1  }
0xa1: {  	v9 =	vld [tilespmem:s6+$0xC800];
	v10 =	vmul.f32 $8.000000000e+00, v0;
	[tilespmem:s13+$0x12C30] =	vst v6  }
0xa2: {  	v6 =	vld [tilespmem:s6+$0x19030];
	v2 =	vadd.f32 v2, v5  }
.Ltmp4:
0xa3: {  	v1 =	vld [tilespmem:s6+$0xC810];
	v3 =	vadd.f32 v3, v8;
	(pc) =	sbr.rel @p1 .LBB2_7-.Ltmp4, $4  }
0xa4: {  	v0 =	vld [tilespmem:s6+$0xC820];
	[tilespmem:s13+$0x12C00] =	vst v2;
	v4 =	vadd.f32 v4, v10  }
0xa5: {  	v2 =	vld [tilespmem:s6+$0x19000];
	v7 =	vmul.f32 $8.000000000e+00, v7;
	[tilespmem:s13+$0x12C10] =	vst v3  }
0xa6: {  	v5 =	vmul.f32 $8.000000000e+00, v9;
	v3 =	vld [tilespmem:s6+$0x19010];
	[tilespmem:s13+$0x12C20] =	vst v4;
	s13 =	smov.u32 s6  }
0xa7: {  	s6 =	sshra.s32 s7, $0x2;
	s7 =	sadd.s32 $0x100, s7;
	v4 =	vld [tilespmem:s13+$0x19020];
	v6 =	vadd.f32 v6, v7  }
0xa8: {  	v7 =	vld [tilespmem:s6+$0xC830]  }
0xa9: {  	v8 =	vld [tilespmem:s6+$0xC800];
	v1 =	vmul.f32 $8.000000000e+00, v1;
	[tilespmem:s13+$0x12C30] =	vst v6  }
0xaa: {  	v0 =	vmul.f32 $8.000000000e+00, v0;
	v6 =	vld [tilespmem:s6+$0x19030];
	v2 =	vadd.f32 v2, v5  }
0xab: {  	v5 =	vld [tilespmem:s6+$0xC810];
	v1 =	vadd.f32 v3, v1  }
0xac: {  	v9 =	vld [tilespmem:s6+$0xC820];
	[tilespmem:s13+$0x12C00] =	vst v2;
	v0 =	vadd.f32 v4, v0  }
0xad: {  	v2 =	vld [tilespmem:s6+$0x19000];
	[tilespmem:s13+$0x12C10] =	vst v1  }
0xae: {  	v1 =	vld [tilespmem:s6+$0x19010];
	[tilespmem:s13+$0x12C20] =	vst v0  }
0xaf: {  	v0 =	vmul.f32 $8.000000000e+00, v7;
	v3 =	vld [tilespmem:s6+$0x19020]  }
0xb0: {  	v4 =	vmul.f32 $8.000000000e+00, v8  }
0xb1: {  	s7 =	sadd.s32 s25, s4;
	v5 =	vmul.f32 $8.000000000e+00, v5;
	v0 =	vadd.f32 v6, v0  }
0xb2: {  	s7 =	smul.u32 $0x640, s7;
	v6 =	vmul.f32 $8.000000000e+00, v9;
	v2 =	vadd.f32 v2, v4  }
0xb3: {  	[tilespmem:s6+$0x12C30] =	vst v0;
	v0 =	vadd.f32 v1, v5  }
0xb4: {  	s28 =	sadd.s32 s2, s7;
	s7 =	sadd.s32 @!p0 $0x6, s25;
	[tilespmem:s6+$0x12C00] =	vst v2;
	v1 =	vadd.f32 v3, v6  }
0xb5: {  	s13 =	smul.u32 @!p0 $0x1E0, s7;
	[tilespmem:s6+$0x12C10] =	vst v0  }
0xb6: {  	s15 =	sadd.s32 $0xC80, s28;
	s7 =	smul.u32 @!p0 $0x140, s7;
	[tilespmem:s6+$0x12C20] =	vst v1  }
0xb7: {  	[hbm4b:s15+s3] =	stream.linear.scatter [tilespmem:s1], [sflag:$0x9], $0x3200, $0x38;
	[tilespmem:$0x1C200] =	vst v63  }
0xb8: {  	s6 =	sshra.s32 @!p0 s13, $0x2;
	s13 =	simm.s32 @!p0 $0x78;
	s15 =	simm.s32 @!p0 $0xC800  }
0xb9: {  	[tilespmem:s15], [sflag:$0x3] =	stream.indirect.gather @!p0 [hbm4b:s5+s13], $0x40, s6, s13, $0xb8;
	[tilespmem:$0x1C200] =	vst v63  }
0xba: {  	s6 =	sshra.s32 @!p0 s7, $0x2  }
0xbb: {  	s7 =	simm.s32 @!p0 $0x50;
	s13 =	simm.s32 @!p0 $0xE600;
	s6 =	sadd.s32 @!p0 $0x3C00, s6  }
0xbc: {  	[tilespmem:s13], [sflag:$0x7] =	stream.indirect.gather @!p0 [hbm4b:s5+s7], $0x40, s6, s7, $0xb8;
	[tilespmem:$0x1C200] =	vst v63  }
0xbd: {  	_ =	swait.ge [sflag:s20], $0x1E00  }
0xbe: {  	[sflag:s20] =	ssyncset.done $0x0  }
0xbf: {  	[sflag:s20] =	ssyncadd.s32 $0xFFFFE200  }
0xc0: {  	_ =	swait.ge [sflag:s21], $0x1400  }
0xc1: {  	[sflag:s21] =	ssyncset.done $0x0  }
0xc2: {  	[sflag:s21] =	ssyncadd.s32 $0xFFFFEC00  }
0xc3: {  	_ =	swait.ge [sflag:s22], $0x3200  }
0xc4: {  	[sflag:s22] =	ssyncset.done $0x0  }
0xc5: {  	s13 =	simm.s32 $0x0;
	[sflag:s22] =	ssyncadd.s32 $0xFFFFCE00  }
0xc6: {  	v3 =	vld [tilespmem:s13+$0xFA30]  }
0xc7: {  	v4 =	vld [tilespmem:s13+$0xFA00]  }
0xc8: {  	v6 =	vld [tilespmem:s13+$0x19030]  }
0xc9: {  	v1 =	vld [tilespmem:s13+$0xFA10]  }
0xca: {  	v0 =	vld [tilespmem:s13+$0xFA20]  }
0xcb: {  	v2 =	vld [tilespmem:s13+$0x19000];
	v7 =	vmul.f32 $8.000000000e+00, v3  }
0xcc: {  	v3 =	vld [tilespmem:s13+$0x19010]  }
0xcd: {  	s6 =	simm.s32 $0x40;
	s7 =	simm.s32 $0x200;
	v5 =	vmul.f32 $8.000000000e+00, v4;
	v4 =	vld [tilespmem:s13+$0x19020];
	v6 =	vadd.f32 v6, v7  }
.LBB2_9:
0xce: {  	p1 =	sne.s32 s7, $0xC700;
	v7 =	vld [tilespmem:s6+$0xFA30];
	v8 =	vmul.f32 $8.000000000e+00, v1  }
0xcf: {  	v9 =	vld [tilespmem:s6+$0xFA00];
	v10 =	vmul.f32 $8.000000000e+00, v0;
	[tilespmem:s13+$0x15E30] =	vst v6  }
0xd0: {  	v6 =	vld [tilespmem:s6+$0x19030];
	v2 =	vadd.f32 v2, v5  }
.Ltmp5:
0xd1: {  	v1 =	vld [tilespmem:s6+$0xFA10];
	v3 =	vadd.f32 v3, v8;
	(pc) =	sbr.rel @p1 .LBB2_9-.Ltmp5, $4  }
0xd2: {  	v0 =	vld [tilespmem:s6+$0xFA20];
	[tilespmem:s13+$0x15E00] =	vst v2;
	v4 =	vadd.f32 v4, v10  }
0xd3: {  	v2 =	vld [tilespmem:s6+$0x19000];
	v7 =	vmul.f32 $8.000000000e+00, v7;
	[tilespmem:s13+$0x15E10] =	vst v3  }
0xd4: {  	v5 =	vmul.f32 $8.000000000e+00, v9;
	v3 =	vld [tilespmem:s6+$0x19010];
	[tilespmem:s13+$0x15E20] =	vst v4;
	s13 =	smov.u32 s6  }
0xd5: {  	s6 =	sshra.s32 s7, $0x2;
	s7 =	sadd.s32 $0x100, s7;
	v4 =	vld [tilespmem:s13+$0x19020];
	v6 =	vadd.f32 v6, v7  }
0xd6: {  	v7 =	vld [tilespmem:s6+$0xFA30]  }
0xd7: {  	v8 =	vld [tilespmem:s6+$0xFA00];
	v1 =	vmul.f32 $8.000000000e+00, v1;
	[tilespmem:s13+$0x15E30] =	vst v6  }
0xd8: {  	v0 =	vmul.f32 $8.000000000e+00, v0;
	v6 =	vld [tilespmem:s6+$0x19030];
	v2 =	vadd.f32 v2, v5  }
0xd9: {  	v57 =	vld [tilespmem:s6+$0xFA10];
	v1 =	vadd.f32 v3, v1  }
0xda: {  	v9 =	vld [tilespmem:s6+$0xFA20];
	[tilespmem:s13+$0x15E00] =	vst v2;
	v0 =	vadd.f32 v4, v0  }
0xdb: {  	v2 =	vld [tilespmem:s6+$0x19000];
	[tilespmem:s13+$0x15E10] =	vst v1  }
0xdc: {  	v1 =	vld [tilespmem:s6+$0x19010];
	[tilespmem:s13+$0x15E20] =	vst v0  }
0xdd: {  	v58 =	vmul.f32 $8.000000000e+00, v7;
	v59 =	vld [tilespmem:s6+$0x19020]  }
0xde: {  	v60 =	vmul.f32 $8.000000000e+00, v8  }
0xdf: {  	v0 =	vadd.f32 v6, v58;
	v5 =	vmul.f32 $8.000000000e+00, v57  }
0xe0: {  	v61 =	vmul.f32 $8.000000000e+00, v9;
	v2 =	vadd.f32 v2, v60  }
.Ltmp6:
0xe1: {  	[tilespmem:s6+$0x15E30] =	vst v0;
	v62 =	vadd.f32 v1, v5;
	(pc) =	sbr.rel @p0 .LBB2_12-.Ltmp6, $4  }
0xe2: {  	[tilespmem:s6+$0x15E00] =	vst v2;
	v63 =	vadd.f32 v59, v61  }
0xe3: {  	[tilespmem:s6+$0x15E10] =	vst v62  }
0xe4: {  	s28 =	sadd.s32 $0x12C0, s28;
	[tilespmem:s6+$0x15E20] =	vst v63  }
0xe5: {  	[hbm4b:s28+s3] =	stream.linear.scatter [tilespmem:s16], [sflag:$0xA], $0x3200, $0x38;
	[tilespmem:$0x1C200] =	vst v63  }
0xe6: {  	s6 =	sadd.s32 $0x7, s25  }
0xe7: {  	s7 =	smul.u32 $0x1E0, s6  }
0xe8: {  	s6 =	smul.u32 $0x140, s6  }
.Ltmp7:
0xe9: {  	_ = 	snop;
	(pc) =	sbr.rel .LBB2_2-.Ltmp7, $4  }
0xea: {  	s7 =	sshra.s32 s7, $0x2;
	s6 =	sshra.s32 s6, $0x2  }
0xeb: {  	[tilespmem:s26], [sflag:$0x4] =	stream.indirect.gather [hbm4b:s5+s12], $0x40, s7, s12, $0xb8;
	[tilespmem:$0x1C200] =	vst v63  }
0xec: {  	s24 =	sadd.s32 $0x1, s24;
	s6 =	sadd.s32 $0x3C00, s6  }
0xed: {  	[tilespmem:s29], [sflag:$0x8] =	stream.indirect.gather [hbm4b:s5+s14], $0x40, s6, s14, $0xb8;
	[tilespmem:$0x1C200] =	vst v63  }
.LBB2_13:
0xee: {  	_ =	sfence.sel $0x180000  }
0xef: {  	[bflag:$0x0] =	sbarrier.arrive $0xFFFF  }
0xf0: {  	_ =	strace $0x90000047  }
0xf1: {  	s0 =	stileid.u32;
	[bflag:$0x2] =	sbarrier.arrive $0xFFFF  }
0xf2: {  	p0 =	sne.s32 s0, $0x0;
	s0 =	rddreg [dreg:$0x2]  }
0xf3: {  	s0 =	sadd.s32 @!p0 $0x100000, s0  }
0xf4: {  	[sflag:s0] =	ssyncadd.tile.s32 @!p0 $0x1;
	_ =	shalt  }
.Lfunc_end2:
_tile_overlayer_lowered:
.L_overlay_start_2:
0xf5: {  	(tag) =	ssettag $0x2  }
0xf6: {  	s0 =	rddreg [dreg:$0x0];
	s2 =	stileid.u32  }
0xf7: {  	s1 =	rddreg [dreg:$0x1];
	p0 =	sne.s32 s2, $0x0  }
0xf8: {  	s3 =	rddreg [dreg:$0x2];
	[bflag:$0x3] =	sbarrier.arrive $0xFFFF;
	s2 =	simm.s32 @!p0 $0x1C0B  }
0xf9: {  	[timem:s3], [sflag:s2] =	dma.local @!p0 [hbm:s0], s1  }
0xfa: {  	s0 =	simm.s32 @!p0 $0xB  }
0xfb: {  	_ =	swait.ge @!p0 [sflag:s0], s1  }
0xfc: {  	s1 =	ssub.s32 @!p0 $0x0, s1;
	[sflag:s0] =	ssyncset.done @!p0 $0x0  }
0xfd: {  	[sflag:s0] =	ssyncadd.s32 @!p0 s1  }
0xfe: {  	[bflag:$0x3] =	sbarrier.arrive $0xFFFF  }
0xff: {  	_ =	shalt  }

// kernel: sparse-core-data-format-call.cloned.1.call-start
scs
called_computation_lowered:
.L_overlay_start_0:
0x0: {  	s2 =	sld [smem:$0x3FD9]  }
0x1: {  	s3 =	sld [smem:$0x3FFE];
	_ =	sdelay $0x1  }
0x2: {  	s1 =	srdreg.scid  }
0x3: {  	s0 =	sand.u32 $0x1, s1  }
0x4: {  	s18 =	sshll.u32 s0, $0xA;
	s2 =	sadd.s32 s3, s2  }
0x5: {  	s2 =	sadd.s32 s2, s18  }
0x6: {  	[smem:$0x3FC6] =	sst s2  }
0x7: {  	_ = 	snop  }
0x8: {  	s2 =	sld [smem:$0x3FD0];
	(tm) =	ssettm $0x1  }
0x9: {  	s19 =	sld [smem:$0x3FFB];
	_ =	sdelay $0x3  }
0xa: {  	_ =	strace s19  }
0xb: {  	s3 =	sld [smem:$0x3FFC];
	_ =	sdelay $0x3  }
0xc: {  	_ =	strace s3  }
0xd: {  	s3 =	sld [smem:$0x3FFD];
	_ =	sdelay $0x3  }
0xe: {  	_ =	strace s3  }
0xf: {  	_ =	strace $0x8FFFFFFF  }
0x10: {  	s20 =	sld [smem:$0x3FDB];
	_ =	sdelay $0x1  }
0x11: {  	s4 =	simm.s32 $_scs_section_size  }
0x12: {  	s5 =	simm.s32 $_size__tile_overlayer_lowered;
	s6 =	simm.s32 $_tile_overlayer_lowered  }
0x13: {  	s23 =	simm.s32 $0x1BFF;
	s22 =	sshll.u32 s6, $0x1;
	s3 =	sadd.s32 s4, s20  }
0x14: {  	s7 =	simm.s32 $0x0;
	s21 =	sshll.u32 s5, $0x1;
	s5 =	sadd.s32 s22, s3  }
0x15: {  	[timem:s7], [sflag:s23] =	dma.local [hbm:s5], s21  }
0x16: {  	_ =	swait.ge [sflag:s23], s21  }
0x17: {  	s4 =	ssub.s32 $0x0, s21;
	[sflag:s23] =	ssyncset.done $0x0  }
0x18: {  	[sflag:s23] =	ssyncadd.s32 s4;
	_ =	sdelay $0x1  }
0x19: {  	s24 =	simm.s32 $0x1B8B  }
0x1a: {  	_ =	swait.ge [sflag:s24], $0x1  }
0x1b: {  	[sflag:s24] =	ssyncset.done $0x0  }
0x1c: {  	s26 =	simm.s32 $0x1B8E;
	s25 =	sld [smem:$0x3FFE];
	[sflag:s24] =	ssyncadd.s32 $0xFFFFFFFF  }
0x1d: {  	s27 =	simm.s32 $execute0_lowered;
	[smem:$0x3FD2] =	sst s26  }
0x1e: {  	s5 =	sshll.u32 s27, $0x1;
	_ =	strace $0x80000049;
	[dreg:$0x1] =	wrdreg $0xFFFFFFFF  }
0x1f: {  	s28 =	simm.s32 $_size_execute0_lowered;
	s3 =	sadd.s32 s3, s5;
	[dreg:$0x0] =	wrdreg $0x0  }
0x20: {  	s5 =	sshll.u32 s28, $0x1;
	[dreg:$0x2] =	wrdreg s3  }
0x21: {  	[dreg:$0x3] =	wrdreg s5  }
0x22: {  	[dreg:$0x4] =	wrdreg $0xC0  }
0x23: {  	_ =	task [dreg:s7], $0x5FFFF  }
0x24: {  	[dreg:$0x1] =	wrdreg $0xFFFFFFFF  }
0x25: {  	[dreg:$0x0] =	wrdreg $0x60  }
0x26: {  	[dreg:$0x2] =	wrdreg s25  }
0x27: {  	[dreg:$0x3] =	wrdreg s2  }
0x28: {  	[dreg:$0x4] =	wrdreg $0x9  }
0x29: {  	_ =	task.clear_ibuf [dreg:s7], $0x5FFFF;
	_ =	strace $0x90000049  }
0x2a: {  	s29 =	simm.s32 $0x9;
	_ =	strace $0x8000004B  }
0x2b: {  	_ =	swait.ge [sflag:s29], $0x1  }
0x2c: {  	[sflag:s29] =	ssyncadd.s32 $0xFFFFFFFF  }
0x2d: {  	_ =	strace $0x9000004B  }
0x2e: {  	_ =	sfence  }
0x2f: {  	s30 =	sld [smem:$0x0];
	_ =	sdelay $0x2  }
0x30: {  	s31 =	sshll.u32 s1, $0xD;
	s1 =	sshrl.u32 s1, $0x2  }
0x31: {  	s3 =	sand.u32 $0x4000, s31;
	s1 =	sadd.s32 s1, s30  }
0x32: {  	s0 =	sor.u32 s3, s0;
	s1 =	sshll.u32 s1, $0x11  }
0x33: {  	s0 =	sor.u32 s1, s0  }
0x34: {  	s0 =	sadd.s32 $0x8F2B, s0  }
0x35: {  	[sflag:s0] =	ssyncadd.remote.s32 $0x1  }
0x36: {  	_ =	sfence.sel $0xFFFF  }
0x37: {  	[dreg:$0x0] =	wrdreg $0xFFFFFFFF;
	(pc) =	sbr.abs _section_cstart, $3  }
0x38: {  	[dreg:$0x1] =	wrdreg $0xFFFFFFFF  }
0x39: {  	_ =	task.clear_ibuf [dreg:s7], $0x2FFFF;
	_ =	strace $0x9FFFFFFF  }
0x3a: {  	(tm) =	ssettm $0x7FFFFFFF  }
0x3b: {  	_ =	shalt  }
tec
execute0_lowered:
.L_overlay_start_1:
0x0: {  	(tag) =	ssettag $0x1  }
0x1: {  	s0 =	srdreg.scid  }
0x2: {  	s1 =	sshll.u32 s0, $0x4  }
0x3: {  	s0 =	stileid.u32;
	s1 =	sand.u32 $0x10, s1  }
0x4: {  	s1 =	sor.u32 s0, s1  }
0x5: {  	s6 =	rddreg [dreg:$0x0];
	s4 =	simm.s32 $0x1;
	s2 =	sshll.u32 s1, $0x7  }
0x6: {  	s7 =	simm.s32 $0x2;
	s12 =	simm.s32 $0x0;
	s1 =	ssub.s32 $0x1000, s2  }
0x7: {  	s8 =	simm.s32 $0x8000;
	s13 =	simm.s32 $0x0;
	s3 =	sand.u32 $0xF80, s1  }
0x8: {  	s9 =	simm.s32 $0x0;
	s5 =	sshrl.u32 s1, $0xC;
	p0 =	sne.s32 s3, $0x0  }
.Ltmp0:
0x9: {  	s1 =	rddreg [dreg:$0x2];
	s4 =	simm.s32 @!p0 $0x0;
	(pc) =	sbr.rel .LBB1_1-.Ltmp0, $4  }
0xa: {  	s11 =	simm.s32 $0x0;
	s3 =	rddreg [dreg:$0x1];
	s5 =	sadd.s32 s4, s5  }
0xb: {  	_ =	strace $0x8000004A;
	s4 =	simm.s32 $0x1;
	s5 =	smul.u32 $0xC8, s5  }
0xc: {  	s6 =	sadd.s32 $0xC00, s6;
	s10 =	smov.u32 s2;
	[sflag:s4] =	ssyncpa.u1 $0x0  }
0xd: {  	p0 =	por $0x0, $0x0;
	[sflag:s7] =	ssyncpa.u1 $0x0;
	s7 =	sor.u32 $0x1, s5  }
.LBB1_4:
0xe: {  	s16 =	sshll.u32 s13, $0x3;
	s17 =	sand.u32 $0x78, s13  }
0xf: {  	s30 =	sand.u32 $0x7E00, s13;
	s12 =	sshll.u32 s12, $0xF;
	s16 =	sand.u32 $0xC00, s16  }
0x10: {  	[tilespmem:s15+$0x810 ss:$0x81] =	vst.msk $0xffff, v2;
	s31 =	sand.u32 $0x7, s13;
	s16 =	sor.u32 s17, s16;
	s17 =	sadd.s32 s3, s30  }
0x11: {  	[tilespmem:s15+$0x1020 ss:$0x81] =	vst.msk $0xffff, v0;
	s13 =	sshll.u32 s31, $0x12;
	s12 =	sadd.s32 s12, s17;
	s16 =	sshrl.u32 s16, $0x3  }
0x12: {  	[tilespmem:s15+$0x0 ss:$0x81] =	vst.msk $0xffff, v1;
	s13 =	sor.u32 $0x400, s13;
	s12 =	sadd.s32 s16, s12  }
0x13: {  	[hbm4b:s12+s13] =	stream.strided.scatter [tilespmem:s14], [sflag:$0x2], $0x2000, s8, s13, $0x20;
	[tilespmem:$0x8080] =	vst v63  }
.LBB1_5:
0x14: {  	s14 =	sadd.s32 $0x1, s9  }
0x15: {  	s12 =	sadd.s32 $0x1000, s10;
	s16 =	smov.u32 s10;
	p2 =	sgt.s32 s14, $0xC7  }
0x16: {  	s16 =	smov.u32 @p2 s12  }
0x17: {  	s14 =	simm.s32 @p2 $0x0;
	p2 =	sgt.s32 s16, $0xFFF  }
0x18: {  	s16 =	smov.u32 @p2 s2;
	p2 =	sne.s32 s11, s7  }
.Ltmp1:
0x19: {  	p1 =	slt.u32 s11, $0x2;
	(pc) =	sbr.rel @!p2 .LBB1_6-.Ltmp1, $4  }
0x1a: {  	s15 =	simm.s32 @!p1 $0x2  }
0x1b: {  	s13 =	smov.u32 s10;
	p0 =	por !p0, !p0;
	_ =	swait.ge @!p1 [sflag:s15], $0x2000  }
0x1c: {  	s12 =	smov.u32 s9;
	[sflag:s15] =	ssyncset.done @!p1 $0x0;
	s9 =	smov.u32 s14  }
0x1d: {  	s11 =	sadd.s32 $0x1, s11;
	[sflag:s15] =	ssyncadd.s32 @!p1 $0xFFFFE000;
	s10 =	smov.u32 s16  }
.LBB1_1:
0x1e: {  	p1 =	sge.u32 s11, s5  }
0x1f: {  	s14 =	sand.u32 @!p1 $0x1FFFFFF, s9  }
0x20: {  	s15 =	smulhi.u32 @!p1 $0x147AE15, s14;
	_ =	sdelay $0x1  }
0x21: {  	s15 =	smul.u32 @!p1 $0xC8, s15  }
0x22: {  	s16 =	sxor.u32 @!p1 $0xFFFFFFFF, s11;
	s17 =	smul.u32 @!p1 $0xC80, s10  }
0x23: {  	s31 =	sadd.s32 $0xFFFFFFFF, s11;
	s16 =	sshll.u32 @!p1 s16, $0xD;
	s14 =	ssub.s32 @!p1 s14, s15  }
0x24: {  	s15 =	sand.u32 @!p1 $0x2000, s16;
	s16 =	sadd.s32 @!p1 s6, s17;
	s14 =	sshll.u32 @!p1 s14, $0x4  }
0x25: {  	s17 =	simm.s32 @!p1 $0x6400;
	s14 =	sadd.s32 @!p1 s14, s16;
	s16 =	simm.s32 @!p1 $0x40  }
0x26: {  	[tilespmem:s15], [sflag:$0x1] =	stream.strided.gather @!p1 [hbm4b:s14+s16], $0x2000, s17, s16, $0x38;
	[tilespmem:$0x8080] =	vst v63  }
0x27: {  	p1 =	sge.u32 s31, s5  }
.Ltmp2:
0x28: {  	_ = 	snop;
	(pc) =	sbr.rel @p1 .LBB1_5-.Ltmp2, $1  }
0x29: {  	_ =	sdelay $0x3  }
0x2a: {  	s14 =	simm.s32 $0x1  }
0x2b: {  	_ =	swait.ge [sflag:s4], $0x2000;
	s14 =	simm.s32 @!p0 $0x0  }
0x2c: {  	[sflag:s4] =	ssyncset.done $0x0;
	s15 =	sshll.u32 s14, $0xD  }
0x2d: {  	[sflag:s4] =	ssyncadd.s32 $0xFFFFE000;
	s18 =	sor.u32 $0x20, s15  }
0x2e: {  	s14 =	smul.u32 $0x8100, s14;
	v3 =	vld [tilespmem:s18+$0x10]  }
0x2f: {  	s30 =	sand.u32 $0x1, s11;
	v2 =	vld [tilespmem:s18+$0xFFFFFFF0]  }
0x30: {  	s15 =	smul.u32 $0x8100, s30;
	s14 =	sshrl.u32 s14, $0x2;
	v0 =	vld [tilespmem:s18+$0x0]  }
0x31: {  	v1 =	vld [tilespmem:s18+$0xFFFFFFE0];
	s16 =	sor.u32 $0x4000, s14  }
0x32: {  	s31 =	sshrl.u32 s15, $0x2;
	s15 =	sadd.s32 $0x0, s16  }
0x33: {  	s17 =	simm.s32 $0x4;
	s18 =	sadd.s32 $0x40, s18;
	s14 =	sor.u32 $0x4000, s31;
	[tilespmem:s15+$0x1830 ss:$0x81] =	vst.msk $0xffff, v3  }
.LBB1_3:
0x34: {  	v3 =	vld [tilespmem:s18+$0x10];
	p1 =	sne.s32 s17, $0x1FC;
	[tilespmem:s15+$0x810 ss:$0x81] =	vst.msk $0xffff, v2;
	s19 =	smov.u32 s17;
	s17 =	sadd.s32 $0x4, s17  }
.Ltmp3:
0x35: {  	v2 =	vld [tilespmem:s18+$0xFFFFFFF0];
	[tilespmem:s15+$0x1020 ss:$0x81] =	vst.msk $0xffff, v0;
	(pc) =	sbr.rel @p1 .LBB1_3-.Ltmp3, $4  }
0x36: {  	v0 =	vld [tilespmem:s18+$0x0];
	[tilespmem:s15+$0x0 ss:$0x81] =	vst.msk $0xffff, v1  }
0x37: {  	s15 =	sshra.s32 s19, $0x2;
	v1 =	vld [tilespmem:s18+$0xFFFFFFE0]  }
0x38: {  	s15 =	sadd.s32 s15, s16  }
0x39: {  	s18 =	sadd.s32 $0x40, s18;
	[tilespmem:s15+$0x1830 ss:$0x81] =	vst.msk $0xffff, v3  }
.Ltmp4:
0x3a: {  	_ = 	snop;
	(pc) =	sbr.rel .LBB1_4-.Ltmp4, $1  }
0x3b: {  	_ =	sdelay $0x3  }
.LBB1_6:
0x3c: {  	_ =	sfence.sel $0x180000  }
0x3d: {  	s2 =	simm.s32 $0x1;
	[bflag:$0x0] =	sbarrier.arrive $0xFFFF  }
0x3e: {  	s31 =	simm.s32 $0x2;
	[sflag:s2] =	ssyncpa.u1 $0x1  }
0x3f: {  	[sflag:s31] =	ssyncpa.u1 $0x1  }
0x40: {  	p0 =	sne.s32 s0, $0x0;
	_ =	strace $0x9000004A  }
0x41: {  	s0 =	sadd.s32 @!p0 $0x100000, s1;
	[bflag:$0x2] =	sbarrier.arrive $0xFFFF  }
0x42: {  	[sflag:s0] =	ssyncadd.tile.s32 @!p0 $0x1;
	_ =	shalt  }
.Lfunc_end1:
_tile_overlayer_lowered:
.L_overlay_start_2:
0x43: {  	(tag) =	ssettag $0x2  }
0x44: {  	s0 =	rddreg [dreg:$0x0];
	s2 =	stileid.u32  }
0x45: {  	s1 =	rddreg [dreg:$0x1];
	p0 =	sne.s32 s2, $0x0  }
0x46: {  	s3 =	rddreg [dreg:$0x2];
	[bflag:$0x3] =	sbarrier.arrive $0xFFFF;
	s2 =	simm.s32 @!p0 $0x1C01  }
0x47: {  	[timem:s3], [sflag:s2] =	dma.local @!p0 [hbm:s0], s1  }
0x48: {  	s0 =	simm.s32 @!p0 $0x1  }
0x49: {  	_ =	swait.ge @!p0 [sflag:s0], s1  }
0x4a: {  	s1 =	ssub.s32 @!p0 $0x0, s1;
	[sflag:s0] =	ssyncset.done @!p0 $0x0  }
0x4b: {  	[sflag:s0] =	ssyncadd.s32 @!p0 s1  }
0x4c: {  	[bflag:$0x3] =	sbarrier.arrive $0xFFFF  }
0x4d: {  	_ =	shalt  }

</sc_bundles>
